<compile_context>
chip_gen: v7x
topology: tpu7x:2x2x1
jax: 0.10.2.dev20260603
libtpu: 0.0.44.dev20260713+nightly
codegen_flags: <defaults>
</compile_context>

<pallas_src>
import functools

import jax
import jax.numpy as jnp
from jax import lax
from jax.experimental import pallas as pl
from jax.experimental.pallas import tpu as pltpu
from jax.experimental.pallas import tpu_sc as plsc

D_MODEL = 1024
B_TOTAL = 8192
NUM_CORES = 2
NUM_SUBCORES = 16
NW = NUM_CORES * NUM_SUBCORES
B_PER_W = B_TOTAL // NW
CHUNK = 16
NCHUNK = B_PER_W // CHUNK
NBUF = 6


def _build():
    mesh = plsc.VectorSubcoreMesh(core_axis_name="c", subcore_axis_name="s")

    @functools.partial(
        pl.kernel,
        mesh=mesh,
        out_type=jax.ShapeDtypeStruct((4, 2048, D_MODEL), jnp.float32),
        scratch_types=[
            pltpu.VMEM((B_PER_W,), jnp.int32),
        ]
        + [pltpu.VMEM((CHUNK, D_MODEL), jnp.float32) for _ in range(NBUF)]
        + [pltpu.SemaphoreType.DMA for _ in range(2 * NBUF)],
    )
    def emb(idx_hbm, table_hbm, out_hbm, idx_v, *scratch):
        bufs = scratch[:NBUF]
        gsems = scratch[NBUF:2 * NBUF]
        wsems = scratch[2 * NBUF:]
        wid = lax.axis_index("s") * NUM_CORES + lax.axis_index("c")
        base = wid * B_PER_W
        w_per_row = 2048 // B_PER_W
        pltpu.sync_copy(
            idx_hbm.at[wid // w_per_row,
                       pl.ds((wid % w_per_row) * B_PER_W, B_PER_W)],
            idx_v,
        )

        gathers = [None] * NBUF
        writes = [None] * NBUF
        for j in range(NBUF - 1):
            gathers[j] = pltpu.async_copy(
                table_hbm.at[idx_v.at[pl.ds(j * CHUNK, CHUNK)]], bufs[j], gsems[j]
            )
        for j in range(NCHUNK):
            b = j % NBUF
            nj = j + NBUF - 1
            if nj < NCHUNK:
                bn = nj % NBUF
                if writes[bn] is not None:
                    writes[bn].wait()
                gathers[bn] = pltpu.async_copy(
                    table_hbm.at[idx_v.at[pl.ds(nj * CHUNK, CHUNK)]],
                    bufs[bn],
                    gsems[bn],
                )
            gathers[b].wait()
            flat = base + j * CHUNK
            writes[b] = pltpu.async_copy(
                bufs[b],
                out_hbm.at[flat // 2048, pl.ds(flat % 2048, CHUNK)],
                wsems[b],
            )
        for j in range(NCHUNK - NBUF, NCHUNK):
            writes[j % NBUF].wait()

    return emb


_emb = _build()


@jax.jit
def kernel(input_ids, weight):
    ids = input_ids
    if ids.dtype != jnp.int32:
        ids = ids.astype(jnp.int32)
    return _emb(ids, weight)

# --- scband reference (transcript-rebuilt; emitter-appended) ---
"""Pipeline reference for scband-embedding-25194278158429 (READ-ONLY COPY).

The authoritative reference and input builder live on the scoring server;
editing this copy changes nothing except your own understanding.
"""

import jax, jax.numpy as jnp
import numpy as np

VOCAB = 100000
D_MODEL = 1024
BATCH = 4
SEQ = 2048


def setup_inputs(seed: int = 0) -> dict:
    key = jax.random.key(seed)
    k_idx, k_tab = jax.random.split(key)
    input_ids = jax.random.randint(k_idx, (BATCH, SEQ), 0, VOCAB)
    weight = jax.random.normal(k_tab, (VOCAB, D_MODEL), dtype=jnp.float32) * 0.02
    return {"input_ids": input_ids, "weight": weight}


def reference(input_ids, weight):
    # transformer.wte(input_ids) -> embedding gather, then .float()
    out = jnp.take(weight, input_ids, axis=0)
    return out.astype(jnp.float32)

if __name__ == "__main__":
    import jax
    _d = setup_inputs()
    print(jax.jit(kernel)(*tuple(_d.values())))

</pallas_src>

<mosaic_0001>
#map = affine_map<(d0, d1) -> (0, 0)>
#map1 = affine_map<(d0, d1) -> (0, 0, 0)>
module attributes {stable_mosaic.version = 14 : i64} {
  func.func @emb(%arg0: i32, %arg1: i32, %arg2: memref<4x2048xi32, #tpu.memory_space<hbm>>, %arg3: memref<100000x1024xf32, #tpu.memory_space<hbm>>, %arg4: memref<4x2048x1024xf32, #tpu.memory_space<hbm>>, %arg5: memref<256xi32, #tpu.memory_space<vmem>>, %arg6: memref<16x1024xf32, #tpu.memory_space<vmem>>, %arg7: memref<16x1024xf32, #tpu.memory_space<vmem>>, %arg8: memref<16x1024xf32, #tpu.memory_space<vmem>>, %arg9: memref<16x1024xf32, #tpu.memory_space<vmem>>, %arg10: memref<16x1024xf32, #tpu.memory_space<vmem>>, %arg11: memref<16x1024xf32, #tpu.memory_space<vmem>>, %arg12: memref<!tpu.dma_semaphore, #tpu.memory_space<semaphore_mem>>, %arg13: memref<!tpu.dma_semaphore, #tpu.memory_space<semaphore_mem>>, %arg14: memref<!tpu.dma_semaphore, #tpu.memory_space<semaphore_mem>>, %arg15: memref<!tpu.dma_semaphore, #tpu.memory_space<semaphore_mem>>, %arg16: memref<!tpu.dma_semaphore, #tpu.memory_space<semaphore_mem>>, %arg17: memref<!tpu.dma_semaphore, #tpu.memory_space<semaphore_mem>>, %arg18: memref<!tpu.dma_semaphore, #tpu.memory_space<semaphore_mem>>, %arg19: memref<!tpu.dma_semaphore, #tpu.memory_space<semaphore_mem>>, %arg20: memref<!tpu.dma_semaphore, #tpu.memory_space<semaphore_mem>>, %arg21: memref<!tpu.dma_semaphore, #tpu.memory_space<semaphore_mem>>, %arg22: memref<!tpu.dma_semaphore, #tpu.memory_space<semaphore_mem>>, %arg23: memref<!tpu.dma_semaphore, #tpu.memory_space<semaphore_mem>>) attributes {dimension_semantics = [#tpu.dimension_semantics<core_parallel>, #tpu.dimension_semantics<subcore_parallel>], iteration_bounds = array<i64: 2, 16>, scalar_prefetch = 0 : i64, scratch_operands = 19 : i64, tpu.core_type = #tpu.core_type<sc_vector_subcore>, window_params = [{transform_indices = #map}, {transform_indices = #map}, {transform_indices = #map1}]} {
    %mul3A = arith.constant 2 : i32
    %mul3A_0 = arith.muli %arg1, %mul3A : i32
    %add3A = arith.addi %mul3A_0, %arg0 : i32
    %mul3A_1 = arith.constant 256 : i32
    %mul3A_2 = arith.muli %add3A, %mul3A_1 : i32
    %jit3A = arith.constant 8 : i32
    %div3A = arith.divsi %add3A, %jit3A : i32
    %sign3A = arith.constant 0 : i32
    %sign3A_3 = arith.cmpi sgt, %add3A, %sign3A : i32
    %sign3A_4 = arith.extui %sign3A_3 : i1 to i32
    %sign3A_5 = arith.constant 0 : i32
    %sign3A_6 = arith.cmpi slt, %add3A, %sign3A_5 : i32
    %sign3A_7 = arith.extui %sign3A_6 : i1 to i32
    %sign3A_8 = arith.subi %sign3A_4, %sign3A_7 : i32
    %sign3A_9 = arith.constant 0 : i32
    %sign3A_10 = arith.cmpi sgt, %jit3A, %sign3A_9 : i32
    %sign3A_11 = arith.extui %sign3A_10 : i1 to i32
    %sign3A_12 = arith.constant 0 : i32
    %sign3A_13 = arith.cmpi slt, %jit3A, %sign3A_12 : i32
    %sign3A_14 = arith.extui %sign3A_13 : i1 to i32
    %sign3A_15 = arith.subi %sign3A_11, %sign3A_14 : i32
    %ne3A = arith.cmpi ne, %sign3A_8, %sign3A_15 : i32
    %rem3A = arith.remsi %add3A, %jit3A : i32
    %ne3A_16 = arith.constant 0 : i32
    %ne3A_17 = arith.cmpi ne, %rem3A, %ne3A_16 : i32
    %and3A = arith.andi %ne3A, %ne3A_17 : i1
    %sub3A = arith.constant 1 : i32
    %sub3A_18 = arith.subi %div3A, %sub3A : i32
    %select_n3A = arith.select %and3A, %sub3A_18, %div3A : i32
    %jit3A_19 = arith.constant 8 : i32
    %eq3A = arith.constant 0 : i32
    %eq3A_20 = arith.cmpi eq, %jit3A_19, %eq3A : i32
    %jit3A_21 = arith.constant 1 : i32
    %select_n3A_22 = arith.select %eq3A_20, %jit3A_21, %jit3A_19 : i32
    %rem3A_23 = arith.remsi %add3A, %select_n3A_22 : i32
    %ne3A_24 = arith.constant 0 : i32
    %ne3A_25 = arith.cmpi ne, %rem3A_23, %ne3A_24 : i32
    %lt3A = arith.constant 0 : i32
    %lt3A_26 = arith.cmpi slt, %rem3A_23, %lt3A : i32
    %lt3A_27 = arith.constant 0 : i32
    %lt3A_28 = arith.cmpi slt, %select_n3A_22, %lt3A_27 : i32
    %ne3A_29 = arith.xori %lt3A_26, %lt3A_28 : i1
    %and3A_30 = arith.andi %ne3A_29, %ne3A_25 : i1
    %add3A_31 = arith.addi %rem3A_23, %select_n3A_22 : i32
    %select_n3A_32 = arith.select %and3A_30, %add3A_31, %rem3A_23 : i32
    %mul3A_33 = arith.constant 256 : i32
    %mul3A_34 = arith.muli %select_n3A_32, %mul3A_33 : i32
    "tpu.region"() ({
      %run_scoped3A = tpu.sem_alloc : memref<!tpu.dma_semaphore, #tpu.memory_space<semaphore_mem>>
      %dma_start3A_1057 = tpu.memref_slice %arg2[%select_n3A, %mul3A_34] : memref<4x2048xi32, #tpu.memory_space<hbm>> -> memref<1x256xi32, #tpu.memory_space<hbm>>
      %dma_start3A_1058 = tpu.memref_squeeze %dma_start3A_1057 : memref<1x256xi32, #tpu.memory_space<hbm>> -> memref<256xi32, #tpu.memory_space<hbm>>
      %dma_start3A_1059 = tpu.memref_slice %arg2[%select_n3A, %mul3A_34] : memref<4x2048xi32, #tpu.memory_space<hbm>> -> memref<1x256xi32, #tpu.memory_space<hbm>>
      %dma_start3A_1060 = tpu.memref_squeeze %dma_start3A_1059 : memref<1x256xi32, #tpu.memory_space<hbm>> -> memref<256xi32, #tpu.memory_space<hbm>>
      tpu.enqueue_dma source(%dma_start3A_1060 : memref<256xi32, #tpu.memory_space<hbm>>) target(%arg5 : memref<256xi32, #tpu.memory_space<vmem>>) target_semaphore(%run_scoped3A : memref<!tpu.dma_semaphore, #tpu.memory_space<semaphore_mem>>)
      %dma_wait3A_1061 = tpu.memref_slice %arg2[%select_n3A, %mul3A_34] : memref<4x2048xi32, #tpu.memory_space<hbm>> -> memref<1x256xi32, #tpu.memory_space<hbm>>
      %dma_wait3A_1062 = tpu.memref_squeeze %dma_wait3A_1061 : memref<1x256xi32, #tpu.memory_space<hbm>> -> memref<256xi32, #tpu.memory_space<hbm>>
      %dma_wait3A_1063 = tpu.memref_slice %arg2[%select_n3A, %mul3A_34] : memref<4x2048xi32, #tpu.memory_space<hbm>> -> memref<1x256xi32, #tpu.memory_space<hbm>>
      %dma_wait3A_1064 = tpu.memref_squeeze %dma_wait3A_1063 : memref<1x256xi32, #tpu.memory_space<hbm>> -> memref<256xi32, #tpu.memory_space<hbm>>
      tpu.wait_dma2 semaphore(%run_scoped3A : memref<!tpu.dma_semaphore, #tpu.memory_space<semaphore_mem>>) src(%dma_wait3A_1064 : memref<256xi32, #tpu.memory_space<hbm>>) dst(%arg5 : memref<256xi32, #tpu.memory_space<vmem>>)
      tpu.yield
    }) : () -> ()
    %dma_start3A = arith.constant 0 : i32
    %dma_start3A_35 = tpu.memref_slice %arg5[%dma_start3A] : memref<256xi32, #tpu.memory_space<vmem>> -> memref<16xi32, #tpu.memory_space<vmem>>
    %dma_start3A_36 = arith.constant 0 : i32
    %dma_start3A_37 = arith.constant 0 : i32
    %dma_start3A_38 = tpu.memref_slice %arg3[%dma_start3A_36, %dma_start3A_37] : memref<100000x1024xf32, #tpu.memory_space<hbm>> -> memref<100000x1024xf32, #tpu.memory_space<hbm>>
    tpu.enqueue_indirect_dma source(%dma_start3A_38 : memref<100000x1024xf32, #tpu.memory_space<hbm>>) target(%arg6 : memref<16x1024xf32, #tpu.memory_space<vmem>>) offsets(%dma_start3A_35 : memref<16xi32, #tpu.memory_space<vmem>>) semaphore(%arg12 : memref<!tpu.dma_semaphore, #tpu.memory_space<semaphore_mem>>)
    %dma_start3A_39 = arith.constant 16 : i32
    %dma_start3A_40 = tpu.memref_slice %arg5[%dma_start3A_39] : memref<256xi32, #tpu.memory_space<vmem>> -> memref<16xi32, #tpu.memory_space<vmem>>
    %dma_start3A_41 = arith.constant 0 : i32
    %dma_start3A_42 = arith.constant 0 : i32
    %dma_start3A_43 = tpu.memref_slice %arg3[%dma_start3A_41, %dma_start3A_42] : memref<100000x1024xf32, #tpu.memory_space<hbm>> -> memref<100000x1024xf32, #tpu.memory_space<hbm>>
    tpu.enqueue_indirect_dma source(%dma_start3A_43 : memref<100000x1024xf32, #tpu.memory_space<hbm>>) target(%arg7 : memref<16x1024xf32, #tpu.memory_space<vmem>>) offsets(%dma_start3A_40 : memref<16xi32, #tpu.memory_space<vmem>>) semaphore(%arg13 : memref<!tpu.dma_semaphore, #tpu.memory_space<semaphore_mem>>)
    %dma_start3A_44 = arith.constant 32 : i32
    %dma_start3A_45 = tpu.memref_slice %arg5[%dma_start3A_44] : memref<256xi32, #tpu.memory_space<vmem>> -> memref<16xi32, #tpu.memory_space<vmem>>
    %dma_start3A_46 = arith.constant 0 : i32
    %dma_start3A_47 = arith.constant 0 : i32
    %dma_start3A_48 = tpu.memref_slice %arg3[%dma_start3A_46, %dma_start3A_47] : memref<100000x1024xf32, #tpu.memory_space<hbm>> -> memref<100000x1024xf32, #tpu.memory_space<hbm>>
    tpu.enqueue_indirect_dma source(%dma_start3A_48 : memref<100000x1024xf32, #tpu.memory_space<hbm>>) target(%arg8 : memref<16x1024xf32, #tpu.memory_space<vmem>>) offsets(%dma_start3A_45 : memref<16xi32, #tpu.memory_space<vmem>>) semaphore(%arg14 : memref<!tpu.dma_semaphore, #tpu.memory_space<semaphore_mem>>)
    %dma_start3A_49 = arith.constant 48 : i32
    %dma_start3A_50 = tpu.memref_slice %arg5[%dma_start3A_49] : memref<256xi32, #tpu.memory_space<vmem>> -> memref<16xi32, #tpu.memory_space<vmem>>
    %dma_start3A_51 = arith.constant 0 : i32
    %dma_start3A_52 = arith.constant 0 : i32
    %dma_start3A_53 = tpu.memref_slice %arg3[%dma_start3A_51, %dma_start3A_52] : memref<100000x1024xf32, #tpu.memory_space<hbm>> -> memref<100000x1024xf32, #tpu.memory_space<hbm>>
    tpu.enqueue_indirect_dma source(%dma_start3A_53 : memref<100000x1024xf32, #tpu.memory_space<hbm>>) target(%arg9 : memref<16x1024xf32, #tpu.memory_space<vmem>>) offsets(%dma_start3A_50 : memref<16xi32, #tpu.memory_space<vmem>>) semaphore(%arg15 : memref<!tpu.dma_semaphore, #tpu.memory_space<semaphore_mem>>)
    %dma_start3A_54 = arith.constant 64 : i32
    %dma_start3A_55 = tpu.memref_slice %arg5[%dma_start3A_54] : memref<256xi32, #tpu.memory_space<vmem>> -> memref<16xi32, #tpu.memory_space<vmem>>
    %dma_start3A_56 = arith.constant 0 : i32
    %dma_start3A_57 = arith.constant 0 : i32
    %dma_start3A_58 = tpu.memref_slice %arg3[%dma_start3A_56, %dma_start3A_57] : memref<100000x1024xf32, #tpu.memory_space<hbm>> -> memref<100000x1024xf32, #tpu.memory_space<hbm>>
    tpu.enqueue_indirect_dma source(%dma_start3A_58 : memref<100000x1024xf32, #tpu.memory_space<hbm>>) target(%arg10 : memref<16x1024xf32, #tpu.memory_space<vmem>>) offsets(%dma_start3A_55 : memref<16xi32, #tpu.memory_space<vmem>>) semaphore(%arg16 : memref<!tpu.dma_semaphore, #tpu.memory_space<semaphore_mem>>)
    %dma_start3A_59 = arith.constant 80 : i32
    %dma_start3A_60 = tpu.memref_slice %arg5[%dma_start3A_59] : memref<256xi32, #tpu.memory_space<vmem>> -> memref<16xi32, #tpu.memory_space<vmem>>
    %dma_start3A_61 = arith.constant 0 : i32
    %dma_start3A_62 = arith.constant 0 : i32
    %dma_start3A_63 = tpu.memref_slice %arg3[%dma_start3A_61, %dma_start3A_62] : memref<100000x1024xf32, #tpu.memory_space<hbm>> -> memref<100000x1024xf32, #tpu.memory_space<hbm>>
    tpu.enqueue_indirect_dma source(%dma_start3A_63 : memref<100000x1024xf32, #tpu.memory_space<hbm>>) target(%arg11 : memref<16x1024xf32, #tpu.memory_space<vmem>>) offsets(%dma_start3A_60 : memref<16xi32, #tpu.memory_space<vmem>>) semaphore(%arg17 : memref<!tpu.dma_semaphore, #tpu.memory_space<semaphore_mem>>)
    %dma_wait3A = arith.constant 0 : i32
    %dma_wait3A_64 = tpu.memref_slice %arg5[%dma_wait3A] : memref<256xi32, #tpu.memory_space<vmem>> -> memref<16xi32, #tpu.memory_space<vmem>>
    %dma_wait3A_65 = arith.constant 0 : i32
    %dma_wait3A_66 = arith.constant 0 : i32
    %dma_wait3A_67 = tpu.memref_slice %arg3[%dma_wait3A_65, %dma_wait3A_66] : memref<100000x1024xf32, #tpu.memory_space<hbm>> -> memref<100000x1024xf32, #tpu.memory_space<hbm>>
    tpu.wait_indirect_dma semaphore(%arg12 : memref<!tpu.dma_semaphore, #tpu.memory_space<semaphore_mem>>) src(%dma_wait3A_67 : memref<100000x1024xf32, #tpu.memory_space<hbm>>) dst(%arg6 : memref<16x1024xf32, #tpu.memory_space<vmem>>)
    %add3A_68 = arith.constant 0 : i32
    %add3A_69 = arith.addi %mul3A_2, %add3A_68 : i32
    %jit3A_70 = arith.constant 2048 : i32
    %div3A_71 = arith.divsi %add3A_69, %jit3A_70 : i32
    %sign3A_72 = arith.constant 0 : i32
    %sign3A_73 = arith.cmpi sgt, %add3A_69, %sign3A_72 : i32
    %sign3A_74 = arith.extui %sign3A_73 : i1 to i32
    %sign3A_75 = arith.constant 0 : i32
    %sign3A_76 = arith.cmpi slt, %add3A_69, %sign3A_75 : i32
    %sign3A_77 = arith.extui %sign3A_76 : i1 to i32
    %sign3A_78 = arith.subi %sign3A_74, %sign3A_77 : i32
    %sign3A_79 = arith.constant 0 : i32
    %sign3A_80 = arith.cmpi sgt, %jit3A_70, %sign3A_79 : i32
    %sign3A_81 = arith.extui %sign3A_80 : i1 to i32
    %sign3A_82 = arith.constant 0 : i32
    %sign3A_83 = arith.cmpi slt, %jit3A_70, %sign3A_82 : i32
    %sign3A_84 = arith.extui %sign3A_83 : i1 to i32
    %sign3A_85 = arith.subi %sign3A_81, %sign3A_84 : i32
    %ne3A_86 = arith.cmpi ne, %sign3A_78, %sign3A_85 : i32
    %rem3A_87 = arith.remsi %add3A_69, %jit3A_70 : i32
    %ne3A_88 = arith.constant 0 : i32
    %ne3A_89 = arith.cmpi ne, %rem3A_87, %ne3A_88 : i32
    %and3A_90 = arith.andi %ne3A_86, %ne3A_89 : i1
    %sub3A_91 = arith.constant 1 : i32
    %sub3A_92 = arith.subi %div3A_71, %sub3A_91 : i32
    %select_n3A_93 = arith.select %and3A_90, %sub3A_92, %div3A_71 : i32
    %jit3A_94 = arith.constant 2048 : i32
    %eq3A_95 = arith.constant 0 : i32
    %eq3A_96 = arith.cmpi eq, %jit3A_94, %eq3A_95 : i32
    %jit3A_97 = arith.constant 1 : i32
    %select_n3A_98 = arith.select %eq3A_96, %jit3A_97, %jit3A_94 : i32
    %rem3A_99 = arith.remsi %add3A_69, %select_n3A_98 : i32
    %ne3A_100 = arith.constant 0 : i32
    %ne3A_101 = arith.cmpi ne, %rem3A_99, %ne3A_100 : i32
    %lt3A_102 = arith.constant 0 : i32
    %lt3A_103 = arith.cmpi slt, %rem3A_99, %lt3A_102 : i32
    %lt3A_104 = arith.constant 0 : i32
    %lt3A_105 = arith.cmpi slt, %select_n3A_98, %lt3A_104 : i32
    %ne3A_106 = arith.xori %lt3A_103, %lt3A_105 : i1
    %and3A_107 = arith.andi %ne3A_106, %ne3A_101 : i1
    %add3A_108 = arith.addi %rem3A_99, %select_n3A_98 : i32
    %select_n3A_109 = arith.select %and3A_107, %add3A_108, %rem3A_99 : i32
    %dma_start3A_110 = arith.constant 0 : i32
    %dma_start3A_111 = tpu.memref_slice %arg4[%select_n3A_93, %select_n3A_109, %dma_start3A_110] : memref<4x2048x1024xf32, #tpu.memory_space<hbm>> -> memref<1x16x1024xf32, #tpu.memory_space<hbm>>
    %dma_start3A_112 = tpu.memref_squeeze %dma_start3A_111 : memref<1x16x1024xf32, #tpu.memory_space<hbm>> -> memref<16x1024xf32, #tpu.memory_space<hbm>>
    %dma_start3A_113 = arith.constant 0 : i32
    %dma_start3A_114 = tpu.memref_slice %arg4[%select_n3A_93, %select_n3A_109, %dma_start3A_113] : memref<4x2048x1024xf32, #tpu.memory_space<hbm>> -> memref<1x16x1024xf32, #tpu.memory_space<hbm>>
    %dma_start3A_115 = tpu.memref_squeeze %dma_start3A_114 : memref<1x16x1024xf32, #tpu.memory_space<hbm>> -> memref<16x1024xf32, #tpu.memory_space<hbm>>
    tpu.enqueue_dma source(%arg6 : memref<16x1024xf32, #tpu.memory_space<vmem>>) target(%dma_start3A_115 : memref<16x1024xf32, #tpu.memory_space<hbm>>) target_semaphore(%arg18 : memref<!tpu.dma_semaphore, #tpu.memory_space<semaphore_mem>>)
    %dma_wait3A_116 = arith.constant 0 : i32
    %dma_wait3A_117 = tpu.memref_slice %arg4[%select_n3A_93, %select_n3A_109, %dma_wait3A_116] : memref<4x2048x1024xf32, #tpu.memory_space<hbm>> -> memref<1x16x1024xf32, #tpu.memory_space<hbm>>
    %dma_wait3A_118 = tpu.memref_squeeze %dma_wait3A_117 : memref<1x16x1024xf32, #tpu.memory_space<hbm>> -> memref<16x1024xf32, #tpu.memory_space<hbm>>
    %dma_wait3A_119 = arith.constant 0 : i32
    %dma_wait3A_120 = tpu.memref_slice %arg4[%select_n3A_93, %select_n3A_109, %dma_wait3A_119] : memref<4x2048x1024xf32, #tpu.memory_space<hbm>> -> memref<1x16x1024xf32, #tpu.memory_space<hbm>>
    %dma_wait3A_121 = tpu.memref_squeeze %dma_wait3A_120 : memref<1x16x1024xf32, #tpu.memory_space<hbm>> -> memref<16x1024xf32, #tpu.memory_space<hbm>>
    tpu.wait_dma2 semaphore(%arg18 : memref<!tpu.dma_semaphore, #tpu.memory_space<semaphore_mem>>) src(%arg6 : memref<16x1024xf32, #tpu.memory_space<vmem>>) dst(%dma_wait3A_121 : memref<16x1024xf32, #tpu.memory_space<hbm>>)
    %dma_start3A_122 = arith.constant 96 : i32
    %dma_start3A_123 = tpu.memref_slice %arg5[%dma_start3A_122] : memref<256xi32, #tpu.memory_space<vmem>> -> memref<16xi32, #tpu.memory_space<vmem>>
    %dma_start3A_124 = arith.constant 0 : i32
    %dma_start3A_125 = arith.constant 0 : i32
    %dma_start3A_126 = tpu.memref_slice %arg3[%dma_start3A_124, %dma_start3A_125] : memref<100000x1024xf32, #tpu.memory_space<hbm>> -> memref<100000x1024xf32, #tpu.memory_space<hbm>>
    tpu.enqueue_indirect_dma source(%dma_start3A_126 : memref<100000x1024xf32, #tpu.memory_space<hbm>>) target(%arg6 : memref<16x1024xf32, #tpu.memory_space<vmem>>) offsets(%dma_start3A_123 : memref<16xi32, #tpu.memory_space<vmem>>) semaphore(%arg12 : memref<!tpu.dma_semaphore, #tpu.memory_space<semaphore_mem>>)
    %dma_wait3A_127 = arith.constant 16 : i32
    %dma_wait3A_128 = tpu.memref_slice %arg5[%dma_wait3A_127] : memref<256xi32, #tpu.memory_space<vmem>> -> memref<16xi32, #tpu.memory_space<vmem>>
    %dma_wait3A_129 = arith.constant 0 : i32
    %dma_wait3A_130 = arith.constant 0 : i32
    %dma_wait3A_131 = tpu.memref_slice %arg3[%dma_wait3A_129, %dma_wait3A_130] : memref<100000x1024xf32, #tpu.memory_space<hbm>> -> memref<100000x1024xf32, #tpu.memory_space<hbm>>
    tpu.wait_indirect_dma semaphore(%arg13 : memref<!tpu.dma_semaphore, #tpu.memory_space<semaphore_mem>>) src(%dma_wait3A_131 : memref<100000x1024xf32, #tpu.memory_space<hbm>>) dst(%arg7 : memref<16x1024xf32, #tpu.memory_space<vmem>>)
    %add3A_132 = arith.constant 16 : i32
    %add3A_133 = arith.addi %mul3A_2, %add3A_132 : i32
    %jit3A_134 = arith.constant 2048 : i32
    %div3A_135 = arith.divsi %add3A_133, %jit3A_134 : i32
    %sign3A_136 = arith.constant 0 : i32
    %sign3A_137 = arith.cmpi sgt, %add3A_133, %sign3A_136 : i32
    %sign3A_138 = arith.extui %sign3A_137 : i1 to i32
    %sign3A_139 = arith.constant 0 : i32
    %sign3A_140 = arith.cmpi slt, %add3A_133, %sign3A_139 : i32
    %sign3A_141 = arith.extui %sign3A_140 : i1 to i32
    %sign3A_142 = arith.subi %sign3A_138, %sign3A_141 : i32
    %sign3A_143 = arith.constant 0 : i32
    %sign3A_144 = arith.cmpi sgt, %jit3A_134, %sign3A_143 : i32
    %sign3A_145 = arith.extui %sign3A_144 : i1 to i32
    %sign3A_146 = arith.constant 0 : i32
    %sign3A_147 = arith.cmpi slt, %jit3A_134, %sign3A_146 : i32
    %sign3A_148 = arith.extui %sign3A_147 : i1 to i32
    %sign3A_149 = arith.subi %sign3A_145, %sign3A_148 : i32
    %ne3A_150 = arith.cmpi ne, %sign3A_142, %sign3A_149 : i32
    %rem3A_151 = arith.remsi %add3A_133, %jit3A_134 : i32
    %ne3A_152 = arith.constant 0 : i32
    %ne3A_153 = arith.cmpi ne, %rem3A_151, %ne3A_152 : i32
    %and3A_154 = arith.andi %ne3A_150, %ne3A_153 : i1
    %sub3A_155 = arith.constant 1 : i32
    %sub3A_156 = arith.subi %div3A_135, %sub3A_155 : i32
    %select_n3A_157 = arith.select %and3A_154, %sub3A_156, %div3A_135 : i32
    %jit3A_158 = arith.constant 2048 : i32
    %eq3A_159 = arith.constant 0 : i32
    %eq3A_160 = arith.cmpi eq, %jit3A_158, %eq3A_159 : i32
    %jit3A_161 = arith.constant 1 : i32
    %select_n3A_162 = arith.select %eq3A_160, %jit3A_161, %jit3A_158 : i32
    %rem3A_163 = arith.remsi %add3A_133, %select_n3A_162 : i32
    %ne3A_164 = arith.constant 0 : i32
    %ne3A_165 = arith.cmpi ne, %rem3A_163, %ne3A_164 : i32
    %lt3A_166 = arith.constant 0 : i32
    %lt3A_167 = arith.cmpi slt, %rem3A_163, %lt3A_166 : i32
    %lt3A_168 = arith.constant 0 : i32
    %lt3A_169 = arith.cmpi slt, %select_n3A_162, %lt3A_168 : i32
    %ne3A_170 = arith.xori %lt3A_167, %lt3A_169 : i1
    %and3A_171 = arith.andi %ne3A_170, %ne3A_165 : i1
    %add3A_172 = arith.addi %rem3A_163, %select_n3A_162 : i32
    %select_n3A_173 = arith.select %and3A_171, %add3A_172, %rem3A_163 : i32
    %dma_start3A_174 = arith.constant 0 : i32
    %dma_start3A_175 = tpu.memref_slice %arg4[%select_n3A_157, %select_n3A_173, %dma_start3A_174] : memref<4x2048x1024xf32, #tpu.memory_space<hbm>> -> memref<1x16x1024xf32, #tpu.memory_space<hbm>>
    %dma_start3A_176 = tpu.memref_squeeze %dma_start3A_175 : memref<1x16x1024xf32, #tpu.memory_space<hbm>> -> memref<16x1024xf32, #tpu.memory_space<hbm>>
    %dma_start3A_177 = arith.constant 0 : i32
    %dma_start3A_178 = tpu.memref_slice %arg4[%select_n3A_157, %select_n3A_173, %dma_start3A_177] : memref<4x2048x1024xf32, #tpu.memory_space<hbm>> -> memref<1x16x1024xf32, #tpu.memory_space<hbm>>
    %dma_start3A_179 = tpu.memref_squeeze %dma_start3A_178 : memref<1x16x1024xf32, #tpu.memory_space<hbm>> -> memref<16x1024xf32, #tpu.memory_space<hbm>>
    tpu.enqueue_dma source(%arg7 : memref<16x1024xf32, #tpu.memory_space<vmem>>) target(%dma_start3A_179 : memref<16x1024xf32, #tpu.memory_space<hbm>>) target_semaphore(%arg19 : memref<!tpu.dma_semaphore, #tpu.memory_space<semaphore_mem>>)
    %dma_wait3A_180 = arith.constant 0 : i32
    %dma_wait3A_181 = tpu.memref_slice %arg4[%select_n3A_157, %select_n3A_173, %dma_wait3A_180] : memref<4x2048x1024xf32, #tpu.memory_space<hbm>> -> memref<1x16x1024xf32, #tpu.memory_space<hbm>>
    %dma_wait3A_182 = tpu.memref_squeeze %dma_wait3A_181 : memref<1x16x1024xf32, #tpu.memory_space<hbm>> -> memref<16x1024xf32, #tpu.memory_space<hbm>>
    %dma_wait3A_183 = arith.constant 0 : i32
    %dma_wait3A_184 = tpu.memref_slice %arg4[%select_n3A_157, %select_n3A_173, %dma_wait3A_183] : memref<4x2048x1024xf32, #tpu.memory_space<hbm>> -> memref<1x16x1024xf32, #tpu.memory_space<hbm>>
    %dma_wait3A_185 = tpu.memref_squeeze %dma_wait3A_184 : memref<1x16x1024xf32, #tpu.memory_space<hbm>> -> memref<16x1024xf32, #tpu.memory_space<hbm>>
    tpu.wait_dma2 semaphore(%arg19 : memref<!tpu.dma_semaphore, #tpu.memory_space<semaphore_mem>>) src(%arg7 : memref<16x1024xf32, #tpu.memory_space<vmem>>) dst(%dma_wait3A_185 : memref<16x1024xf32, #tpu.memory_space<hbm>>)
    %dma_start3A_186 = arith.constant 112 : i32
    %dma_start3A_187 = tpu.memref_slice %arg5[%dma_start3A_186] : memref<256xi32, #tpu.memory_space<vmem>> -> memref<16xi32, #tpu.memory_space<vmem>>
    %dma_start3A_188 = arith.constant 0 : i32
    %dma_start3A_189 = arith.constant 0 : i32
    %dma_start3A_190 = tpu.memref_slice %arg3[%dma_start3A_188, %dma_start3A_189] : memref<100000x1024xf32, #tpu.memory_space<hbm>> -> memref<100000x1024xf32, #tpu.memory_space<hbm>>
    tpu.enqueue_indirect_dma source(%dma_start3A_190 : memref<100000x1024xf32, #tpu.memory_space<hbm>>) target(%arg7 : memref<16x1024xf32, #tpu.memory_space<vmem>>) offsets(%dma_start3A_187 : memref<16xi32, #tpu.memory_space<vmem>>) semaphore(%arg13 : memref<!tpu.dma_semaphore, #tpu.memory_space<semaphore_mem>>)
    %dma_wait3A_191 = arith.constant 32 : i32
    %dma_wait3A_192 = tpu.memref_slice %arg5[%dma_wait3A_191] : memref<256xi32, #tpu.memory_space<vmem>> -> memref<16xi32, #tpu.memory_space<vmem>>
    %dma_wait3A_193 = arith.constant 0 : i32
    %dma_wait3A_194 = arith.constant 0 : i32
    %dma_wait3A_195 = tpu.memref_slice %arg3[%dma_wait3A_193, %dma_wait3A_194] : memref<100000x1024xf32, #tpu.memory_space<hbm>> -> memref<100000x1024xf32, #tpu.memory_space<hbm>>
    tpu.wait_indirect_dma semaphore(%arg14 : memref<!tpu.dma_semaphore, #tpu.memory_space<semaphore_mem>>) src(%dma_wait3A_195 : memref<100000x1024xf32, #tpu.memory_space<hbm>>) dst(%arg8 : memref<16x1024xf32, #tpu.memory_space<vmem>>)
    %add3A_196 = arith.constant 32 : i32
    %add3A_197 = arith.addi %mul3A_2, %add3A_196 : i32
    %jit3A_198 = arith.constant 2048 : i32
    %div3A_199 = arith.divsi %add3A_197, %jit3A_198 : i32
    %sign3A_200 = arith.constant 0 : i32
    %sign3A_201 = arith.cmpi sgt, %add3A_197, %sign3A_200 : i32
    %sign3A_202 = arith.extui %sign3A_201 : i1 to i32
    %sign3A_203 = arith.constant 0 : i32
    %sign3A_204 = arith.cmpi slt, %add3A_197, %sign3A_203 : i32
    %sign3A_205 = arith.extui %sign3A_204 : i1 to i32
    %sign3A_206 = arith.subi %sign3A_202, %sign3A_205 : i32
    %sign3A_207 = arith.constant 0 : i32
    %sign3A_208 = arith.cmpi sgt, %jit3A_198, %sign3A_207 : i32
    %sign3A_209 = arith.extui %sign3A_208 : i1 to i32
    %sign3A_210 = arith.constant 0 : i32
    %sign3A_211 = arith.cmpi slt, %jit3A_198, %sign3A_210 : i32
    %sign3A_212 = arith.extui %sign3A_211 : i1 to i32
    %sign3A_213 = arith.subi %sign3A_209, %sign3A_212 : i32
    %ne3A_214 = arith.cmpi ne, %sign3A_206, %sign3A_213 : i32
    %rem3A_215 = arith.remsi %add3A_197, %jit3A_198 : i32
    %ne3A_216 = arith.constant 0 : i32
    %ne3A_217 = arith.cmpi ne, %rem3A_215, %ne3A_216 : i32
    %and3A_218 = arith.andi %ne3A_214, %ne3A_217 : i1
    %sub3A_219 = arith.constant 1 : i32
    %sub3A_220 = arith.subi %div3A_199, %sub3A_219 : i32
    %select_n3A_221 = arith.select %and3A_218, %sub3A_220, %div3A_199 : i32
    %jit3A_222 = arith.constant 2048 : i32
    %eq3A_223 = arith.constant 0 : i32
    %eq3A_224 = arith.cmpi eq, %jit3A_222, %eq3A_223 : i32
    %jit3A_225 = arith.constant 1 : i32
    %select_n3A_226 = arith.select %eq3A_224, %jit3A_225, %jit3A_222 : i32
    %rem3A_227 = arith.remsi %add3A_197, %select_n3A_226 : i32
    %ne3A_228 = arith.constant 0 : i32
    %ne3A_229 = arith.cmpi ne, %rem3A_227, %ne3A_228 : i32
    %lt3A_230 = arith.constant 0 : i32
    %lt3A_231 = arith.cmpi slt, %rem3A_227, %lt3A_230 : i32
    %lt3A_232 = arith.constant 0 : i32
    %lt3A_233 = arith.cmpi slt, %select_n3A_226, %lt3A_232 : i32
    %ne3A_234 = arith.xori %lt3A_231, %lt3A_233 : i1
    %and3A_235 = arith.andi %ne3A_234, %ne3A_229 : i1
    %add3A_236 = arith.addi %rem3A_227, %select_n3A_226 : i32
    %select_n3A_237 = arith.select %and3A_235, %add3A_236, %rem3A_227 : i32
    %dma_start3A_238 = arith.constant 0 : i32
    %dma_start3A_239 = tpu.memref_slice %arg4[%select_n3A_221, %select_n3A_237, %dma_start3A_238] : memref<4x2048x1024xf32, #tpu.memory_space<hbm>> -> memref<1x16x1024xf32, #tpu.memory_space<hbm>>
    %dma_start3A_240 = tpu.memref_squeeze %dma_start3A_239 : memref<1x16x1024xf32, #tpu.memory_space<hbm>> -> memref<16x1024xf32, #tpu.memory_space<hbm>>
    %dma_start3A_241 = arith.constant 0 : i32
    %dma_start3A_242 = tpu.memref_slice %arg4[%select_n3A_221, %select_n3A_237, %dma_start3A_241] : memref<4x2048x1024xf32, #tpu.memory_space<hbm>> -> memref<1x16x1024xf32, #tpu.memory_space<hbm>>
    %dma_start3A_243 = tpu.memref_squeeze %dma_start3A_242 : memref<1x16x1024xf32, #tpu.memory_space<hbm>> -> memref<16x1024xf32, #tpu.memory_space<hbm>>
    tpu.enqueue_dma source(%arg8 : memref<16x1024xf32, #tpu.memory_space<vmem>>) target(%dma_start3A_243 : memref<16x1024xf32, #tpu.memory_space<hbm>>) target_semaphore(%arg20 : memref<!tpu.dma_semaphore, #tpu.memory_space<semaphore_mem>>)
    %dma_wait3A_244 = arith.constant 0 : i32
    %dma_wait3A_245 = tpu.memref_slice %arg4[%select_n3A_221, %select_n3A_237, %dma_wait3A_244] : memref<4x2048x1024xf32, #tpu.memory_space<hbm>> -> memref<1x16x1024xf32, #tpu.memory_space<hbm>>
    %dma_wait3A_246 = tpu.memref_squeeze %dma_wait3A_245 : memref<1x16x1024xf32, #tpu.memory_space<hbm>> -> memref<16x1024xf32, #tpu.memory_space<hbm>>
    %dma_wait3A_247 = arith.constant 0 : i32
    %dma_wait3A_248 = tpu.memref_slice %arg4[%select_n3A_221, %select_n3A_237, %dma_wait3A_247] : memref<4x2048x1024xf32, #tpu.memory_space<hbm>> -> memref<1x16x1024xf32, #tpu.memory_space<hbm>>
    %dma_wait3A_249 = tpu.memref_squeeze %dma_wait3A_248 : memref<1x16x1024xf32, #tpu.memory_space<hbm>> -> memref<16x1024xf32, #tpu.memory_space<hbm>>
    tpu.wait_dma2 semaphore(%arg20 : memref<!tpu.dma_semaphore, #tpu.memory_space<semaphore_mem>>) src(%arg8 : memref<16x1024xf32, #tpu.memory_space<vmem>>) dst(%dma_wait3A_249 : memref<16x1024xf32, #tpu.memory_space<hbm>>)
    %dma_start3A_250 = arith.constant 128 : i32
    %dma_start3A_251 = tpu.memref_slice %arg5[%dma_start3A_250] : memref<256xi32, #tpu.memory_space<vmem>> -> memref<16xi32, #tpu.memory_space<vmem>>
    %dma_start3A_252 = arith.constant 0 : i32
    %dma_start3A_253 = arith.constant 0 : i32
    %dma_start3A_254 = tpu.memref_slice %arg3[%dma_start3A_252, %dma_start3A_253] : memref<100000x1024xf32, #tpu.memory_space<hbm>> -> memref<100000x1024xf32, #tpu.memory_space<hbm>>
    tpu.enqueue_indirect_dma source(%dma_start3A_254 : memref<100000x1024xf32, #tpu.memory_space<hbm>>) target(%arg8 : memref<16x1024xf32, #tpu.memory_space<vmem>>) offsets(%dma_start3A_251 : memref<16xi32, #tpu.memory_space<vmem>>) semaphore(%arg14 : memref<!tpu.dma_semaphore, #tpu.memory_space<semaphore_mem>>)
    %dma_wait3A_255 = arith.constant 48 : i32
    %dma_wait3A_256 = tpu.memref_slice %arg5[%dma_wait3A_255] : memref<256xi32, #tpu.memory_space<vmem>> -> memref<16xi32, #tpu.memory_space<vmem>>
    %dma_wait3A_257 = arith.constant 0 : i32
    %dma_wait3A_258 = arith.constant 0 : i32
    %dma_wait3A_259 = tpu.memref_slice %arg3[%dma_wait3A_257, %dma_wait3A_258] : memref<100000x1024xf32, #tpu.memory_space<hbm>> -> memref<100000x1024xf32, #tpu.memory_space<hbm>>
    tpu.wait_indirect_dma semaphore(%arg15 : memref<!tpu.dma_semaphore, #tpu.memory_space<semaphore_mem>>) src(%dma_wait3A_259 : memref<100000x1024xf32, #tpu.memory_space<hbm>>) dst(%arg9 : memref<16x1024xf32, #tpu.memory_space<vmem>>)
    %add3A_260 = arith.constant 48 : i32
    %add3A_261 = arith.addi %mul3A_2, %add3A_260 : i32
    %jit3A_262 = arith.constant 2048 : i32
    %div3A_263 = arith.divsi %add3A_261, %jit3A_262 : i32
    %sign3A_264 = arith.constant 0 : i32
    %sign3A_265 = arith.cmpi sgt, %add3A_261, %sign3A_264 : i32
    %sign3A_266 = arith.extui %sign3A_265 : i1 to i32
    %sign3A_267 = arith.constant 0 : i32
    %sign3A_268 = arith.cmpi slt, %add3A_261, %sign3A_267 : i32
    %sign3A_269 = arith.extui %sign3A_268 : i1 to i32
    %sign3A_270 = arith.subi %sign3A_266, %sign3A_269 : i32
    %sign3A_271 = arith.constant 0 : i32
    %sign3A_272 = arith.cmpi sgt, %jit3A_262, %sign3A_271 : i32
    %sign3A_273 = arith.extui %sign3A_272 : i1 to i32
    %sign3A_274 = arith.constant 0 : i32
    %sign3A_275 = arith.cmpi slt, %jit3A_262, %sign3A_274 : i32
    %sign3A_276 = arith.extui %sign3A_275 : i1 to i32
    %sign3A_277 = arith.subi %sign3A_273, %sign3A_276 : i32
    %ne3A_278 = arith.cmpi ne, %sign3A_270, %sign3A_277 : i32
    %rem3A_279 = arith.remsi %add3A_261, %jit3A_262 : i32
    %ne3A_280 = arith.constant 0 : i32
    %ne3A_281 = arith.cmpi ne, %rem3A_279, %ne3A_280 : i32
    %and3A_282 = arith.andi %ne3A_278, %ne3A_281 : i1
    %sub3A_283 = arith.constant 1 : i32
    %sub3A_284 = arith.subi %div3A_263, %sub3A_283 : i32
    %select_n3A_285 = arith.select %and3A_282, %sub3A_284, %div3A_263 : i32
    %jit3A_286 = arith.constant 2048 : i32
    %eq3A_287 = arith.constant 0 : i32
    %eq3A_288 = arith.cmpi eq, %jit3A_286, %eq3A_287 : i32
    %jit3A_289 = arith.constant 1 : i32
    %select_n3A_290 = arith.select %eq3A_288, %jit3A_289, %jit3A_286 : i32
    %rem3A_291 = arith.remsi %add3A_261, %select_n3A_290 : i32
    %ne3A_292 = arith.constant 0 : i32
    %ne3A_293 = arith.cmpi ne, %rem3A_291, %ne3A_292 : i32
    %lt3A_294 = arith.constant 0 : i32
    %lt3A_295 = arith.cmpi slt, %rem3A_291, %lt3A_294 : i32
    %lt3A_296 = arith.constant 0 : i32
    %lt3A_297 = arith.cmpi slt, %select_n3A_290, %lt3A_296 : i32
    %ne3A_298 = arith.xori %lt3A_295, %lt3A_297 : i1
    %and3A_299 = arith.andi %ne3A_298, %ne3A_293 : i1
    %add3A_300 = arith.addi %rem3A_291, %select_n3A_290 : i32
    %select_n3A_301 = arith.select %and3A_299, %add3A_300, %rem3A_291 : i32
    %dma_start3A_302 = arith.constant 0 : i32
    %dma_start3A_303 = tpu.memref_slice %arg4[%select_n3A_285, %select_n3A_301, %dma_start3A_302] : memref<4x2048x1024xf32, #tpu.memory_space<hbm>> -> memref<1x16x1024xf32, #tpu.memory_space<hbm>>
    %dma_start3A_304 = tpu.memref_squeeze %dma_start3A_303 : memref<1x16x1024xf32, #tpu.memory_space<hbm>> -> memref<16x1024xf32, #tpu.memory_space<hbm>>
    %dma_start3A_305 = arith.constant 0 : i32
    %dma_start3A_306 = tpu.memref_slice %arg4[%select_n3A_285, %select_n3A_301, %dma_start3A_305] : memref<4x2048x1024xf32, #tpu.memory_space<hbm>> -> memref<1x16x1024xf32, #tpu.memory_space<hbm>>
    %dma_start3A_307 = tpu.memref_squeeze %dma_start3A_306 : memref<1x16x1024xf32, #tpu.memory_space<hbm>> -> memref<16x1024xf32, #tpu.memory_space<hbm>>
    tpu.enqueue_dma source(%arg9 : memref<16x1024xf32, #tpu.memory_space<vmem>>) target(%dma_start3A_307 : memref<16x1024xf32, #tpu.memory_space<hbm>>) target_semaphore(%arg21 : memref<!tpu.dma_semaphore, #tpu.memory_space<semaphore_mem>>)
    %dma_wait3A_308 = arith.constant 0 : i32
    %dma_wait3A_309 = tpu.memref_slice %arg4[%select_n3A_285, %select_n3A_301, %dma_wait3A_308] : memref<4x2048x1024xf32, #tpu.memory_space<hbm>> -> memref<1x16x1024xf32, #tpu.memory_space<hbm>>
    %dma_wait3A_310 = tpu.memref_squeeze %dma_wait3A_309 : memref<1x16x1024xf32, #tpu.memory_space<hbm>> -> memref<16x1024xf32, #tpu.memory_space<hbm>>
    %dma_wait3A_311 = arith.constant 0 : i32
    %dma_wait3A_312 = tpu.memref_slice %arg4[%select_n3A_285, %select_n3A_301, %dma_wait3A_311] : memref<4x2048x1024xf32, #tpu.memory_space<hbm>> -> memref<1x16x1024xf32, #tpu.memory_space<hbm>>
    %dma_wait3A_313 = tpu.memref_squeeze %dma_wait3A_312 : memref<1x16x1024xf32, #tpu.memory_space<hbm>> -> memref<16x1024xf32, #tpu.memory_space<hbm>>
    tpu.wait_dma2 semaphore(%arg21 : memref<!tpu.dma_semaphore, #tpu.memory_space<semaphore_mem>>) src(%arg9 : memref<16x1024xf32, #tpu.memory_space<vmem>>) dst(%dma_wait3A_313 : memref<16x1024xf32, #tpu.memory_space<hbm>>)
    %dma_start3A_314 = arith.constant 144 : i32
    %dma_start3A_315 = tpu.memref_slice %arg5[%dma_start3A_314] : memref<256xi32, #tpu.memory_space<vmem>> -> memref<16xi32, #tpu.memory_space<vmem>>
    %dma_start3A_316 = arith.constant 0 : i32
    %dma_start3A_317 = arith.constant 0 : i32
    %dma_start3A_318 = tpu.memref_slice %arg3[%dma_start3A_316, %dma_start3A_317] : memref<100000x1024xf32, #tpu.memory_space<hbm>> -> memref<100000x1024xf32, #tpu.memory_space<hbm>>
    tpu.enqueue_indirect_dma source(%dma_start3A_318 : memref<100000x1024xf32, #tpu.memory_space<hbm>>) target(%arg9 : memref<16x1024xf32, #tpu.memory_space<vmem>>) offsets(%dma_start3A_315 : memref<16xi32, #tpu.memory_space<vmem>>) semaphore(%arg15 : memref<!tpu.dma_semaphore, #tpu.memory_space<semaphore_mem>>)
    %dma_wait3A_319 = arith.constant 64 : i32
    %dma_wait3A_320 = tpu.memref_slice %arg5[%dma_wait3A_319] : memref<256xi32, #tpu.memory_space<vmem>> -> memref<16xi32, #tpu.memory_space<vmem>>
    %dma_wait3A_321 = arith.constant 0 : i32
    %dma_wait3A_322 = arith.constant 0 : i32
    %dma_wait3A_323 = tpu.memref_slice %arg3[%dma_wait3A_321, %dma_wait3A_322] : memref<100000x1024xf32, #tpu.memory_space<hbm>> -> memref<100000x1024xf32, #tpu.memory_space<hbm>>
    tpu.wait_indirect_dma semaphore(%arg16 : memref<!tpu.dma_semaphore, #tpu.memory_space<semaphore_mem>>) src(%dma_wait3A_323 : memref<100000x1024xf32, #tpu.memory_space<hbm>>) dst(%arg10 : memref<16x1024xf32, #tpu.memory_space<vmem>>)
    %add3A_324 = arith.constant 64 : i32
    %add3A_325 = arith.addi %mul3A_2, %add3A_324 : i32
    %jit3A_326 = arith.constant 2048 : i32
    %div3A_327 = arith.divsi %add3A_325, %jit3A_326 : i32
    %sign3A_328 = arith.constant 0 : i32
    %sign3A_329 = arith.cmpi sgt, %add3A_325, %sign3A_328 : i32
    %sign3A_330 = arith.extui %sign3A_329 : i1 to i32
    %sign3A_331 = arith.constant 0 : i32
    %sign3A_332 = arith.cmpi slt, %add3A_325, %sign3A_331 : i32
    %sign3A_333 = arith.extui %sign3A_332 : i1 to i32
    %sign3A_334 = arith.subi %sign3A_330, %sign3A_333 : i32
    %sign3A_335 = arith.constant 0 : i32
    %sign3A_336 = arith.cmpi sgt, %jit3A_326, %sign3A_335 : i32
    %sign3A_337 = arith.extui %sign3A_336 : i1 to i32
    %sign3A_338 = arith.constant 0 : i32
    %sign3A_339 = arith.cmpi slt, %jit3A_326, %sign3A_338 : i32
    %sign3A_340 = arith.extui %sign3A_339 : i1 to i32
    %sign3A_341 = arith.subi %sign3A_337, %sign3A_340 : i32
    %ne3A_342 = arith.cmpi ne, %sign3A_334, %sign3A_341 : i32
    %rem3A_343 = arith.remsi %add3A_325, %jit3A_326 : i32
    %ne3A_344 = arith.constant 0 : i32
    %ne3A_345 = arith.cmpi ne, %rem3A_343, %ne3A_344 : i32
    %and3A_346 = arith.andi %ne3A_342, %ne3A_345 : i1
    %sub3A_347 = arith.constant 1 : i32
    %sub3A_348 = arith.subi %div3A_327, %sub3A_347 : i32
    %select_n3A_349 = arith.select %and3A_346, %sub3A_348, %div3A_327 : i32
    %jit3A_350 = arith.constant 2048 : i32
    %eq3A_351 = arith.constant 0 : i32
    %eq3A_352 = arith.cmpi eq, %jit3A_350, %eq3A_351 : i32
    %jit3A_353 = arith.constant 1 : i32
    %select_n3A_354 = arith.select %eq3A_352, %jit3A_353, %jit3A_350 : i32
    %rem3A_355 = arith.remsi %add3A_325, %select_n3A_354 : i32
    %ne3A_356 = arith.constant 0 : i32
    %ne3A_357 = arith.cmpi ne, %rem3A_355, %ne3A_356 : i32
    %lt3A_358 = arith.constant 0 : i32
    %lt3A_359 = arith.cmpi slt, %rem3A_355, %lt3A_358 : i32
    %lt3A_360 = arith.constant 0 : i32
    %lt3A_361 = arith.cmpi slt, %select_n3A_354, %lt3A_360 : i32
    %ne3A_362 = arith.xori %lt3A_359, %lt3A_361 : i1
    %and3A_363 = arith.andi %ne3A_362, %ne3A_357 : i1
    %add3A_364 = arith.addi %rem3A_355, %select_n3A_354 : i32
    %select_n3A_365 = arith.select %and3A_363, %add3A_364, %rem3A_355 : i32
    %dma_start3A_366 = arith.constant 0 : i32
    %dma_start3A_367 = tpu.memref_slice %arg4[%select_n3A_349, %select_n3A_365, %dma_start3A_366] : memref<4x2048x1024xf32, #tpu.memory_space<hbm>> -> memref<1x16x1024xf32, #tpu.memory_space<hbm>>
    %dma_start3A_368 = tpu.memref_squeeze %dma_start3A_367 : memref<1x16x1024xf32, #tpu.memory_space<hbm>> -> memref<16x1024xf32, #tpu.memory_space<hbm>>
    %dma_start3A_369 = arith.constant 0 : i32
    %dma_start3A_370 = tpu.memref_slice %arg4[%select_n3A_349, %select_n3A_365, %dma_start3A_369] : memref<4x2048x1024xf32, #tpu.memory_space<hbm>> -> memref<1x16x1024xf32, #tpu.memory_space<hbm>>
    %dma_start3A_371 = tpu.memref_squeeze %dma_start3A_370 : memref<1x16x1024xf32, #tpu.memory_space<hbm>> -> memref<16x1024xf32, #tpu.memory_space<hbm>>
    tpu.enqueue_dma source(%arg10 : memref<16x1024xf32, #tpu.memory_space<vmem>>) target(%dma_start3A_371 : memref<16x1024xf32, #tpu.memory_space<hbm>>) target_semaphore(%arg22 : memref<!tpu.dma_semaphore, #tpu.memory_space<semaphore_mem>>)
    %dma_wait3A_372 = arith.constant 0 : i32
    %dma_wait3A_373 = tpu.memref_slice %arg4[%select_n3A_349, %select_n3A_365, %dma_wait3A_372] : memref<4x2048x1024xf32, #tpu.memory_space<hbm>> -> memref<1x16x1024xf32, #tpu.memory_space<hbm>>
    %dma_wait3A_374 = tpu.memref_squeeze %dma_wait3A_373 : memref<1x16x1024xf32, #tpu.memory_space<hbm>> -> memref<16x1024xf32, #tpu.memory_space<hbm>>
    %dma_wait3A_375 = arith.constant 0 : i32
    %dma_wait3A_376 = tpu.memref_slice %arg4[%select_n3A_349, %select_n3A_365, %dma_wait3A_375] : memref<4x2048x1024xf32, #tpu.memory_space<hbm>> -> memref<1x16x1024xf32, #tpu.memory_space<hbm>>
    %dma_wait3A_377 = tpu.memref_squeeze %dma_wait3A_376 : memref<1x16x1024xf32, #tpu.memory_space<hbm>> -> memref<16x1024xf32, #tpu.memory_space<hbm>>
    tpu.wait_dma2 semaphore(%arg22 : memref<!tpu.dma_semaphore, #tpu.memory_space<semaphore_mem>>) src(%arg10 : memref<16x1024xf32, #tpu.memory_space<vmem>>) dst(%dma_wait3A_377 : memref<16x1024xf32, #tpu.memory_space<hbm>>)
    %dma_start3A_378 = arith.constant 160 : i32
    %dma_start3A_379 = tpu.memref_slice %arg5[%dma_start3A_378] : memref<256xi32, #tpu.memory_space<vmem>> -> memref<16xi32, #tpu.memory_space<vmem>>
    %dma_start3A_380 = arith.constant 0 : i32
    %dma_start3A_381 = arith.constant 0 : i32
    %dma_start3A_382 = tpu.memref_slice %arg3[%dma_start3A_380, %dma_start3A_381] : memref<100000x1024xf32, #tpu.memory_space<hbm>> -> memref<100000x1024xf32, #tpu.memory_space<hbm>>
    tpu.enqueue_indirect_dma source(%dma_start3A_382 : memref<100000x1024xf32, #tpu.memory_space<hbm>>) target(%arg10 : memref<16x1024xf32, #tpu.memory_space<vmem>>) offsets(%dma_start3A_379 : memref<16xi32, #tpu.memory_space<vmem>>) semaphore(%arg16 : memref<!tpu.dma_semaphore, #tpu.memory_space<semaphore_mem>>)
    %dma_wait3A_383 = arith.constant 80 : i32
    %dma_wait3A_384 = tpu.memref_slice %arg5[%dma_wait3A_383] : memref<256xi32, #tpu.memory_space<vmem>> -> memref<16xi32, #tpu.memory_space<vmem>>
    %dma_wait3A_385 = arith.constant 0 : i32
    %dma_wait3A_386 = arith.constant 0 : i32
    %dma_wait3A_387 = tpu.memref_slice %arg3[%dma_wait3A_385, %dma_wait3A_386] : memref<100000x1024xf32, #tpu.memory_space<hbm>> -> memref<100000x1024xf32, #tpu.memory_space<hbm>>
    tpu.wait_indirect_dma semaphore(%arg17 : memref<!tpu.dma_semaphore, #tpu.memory_space<semaphore_mem>>) src(%dma_wait3A_387 : memref<100000x1024xf32, #tpu.memory_space<hbm>>) dst(%arg11 : memref<16x1024xf32, #tpu.memory_space<vmem>>)
    %add3A_388 = arith.constant 80 : i32
    %add3A_389 = arith.addi %mul3A_2, %add3A_388 : i32
    %jit3A_390 = arith.constant 2048 : i32
    %div3A_391 = arith.divsi %add3A_389, %jit3A_390 : i32
    %sign3A_392 = arith.constant 0 : i32
    %sign3A_393 = arith.cmpi sgt, %add3A_389, %sign3A_392 : i32
    %sign3A_394 = arith.extui %sign3A_393 : i1 to i32
    %sign3A_395 = arith.constant 0 : i32
    %sign3A_396 = arith.cmpi slt, %add3A_389, %sign3A_395 : i32
    %sign3A_397 = arith.extui %sign3A_396 : i1 to i32
    %sign3A_398 = arith.subi %sign3A_394, %sign3A_397 : i32
    %sign3A_399 = arith.constant 0 : i32
    %sign3A_400 = arith.cmpi sgt, %jit3A_390, %sign3A_399 : i32
    %sign3A_401 = arith.extui %sign3A_400 : i1 to i32
    %sign3A_402 = arith.constant 0 : i32
    %sign3A_403 = arith.cmpi slt, %jit3A_390, %sign3A_402 : i32
    %sign3A_404 = arith.extui %sign3A_403 : i1 to i32
    %sign3A_405 = arith.subi %sign3A_401, %sign3A_404 : i32
    %ne3A_406 = arith.cmpi ne, %sign3A_398, %sign3A_405 : i32
    %rem3A_407 = arith.remsi %add3A_389, %jit3A_390 : i32
    %ne3A_408 = arith.constant 0 : i32
    %ne3A_409 = arith.cmpi ne, %rem3A_407, %ne3A_408 : i32
    %and3A_410 = arith.andi %ne3A_406, %ne3A_409 : i1
    %sub3A_411 = arith.constant 1 : i32
    %sub3A_412 = arith.subi %div3A_391, %sub3A_411 : i32
    %select_n3A_413 = arith.select %and3A_410, %sub3A_412, %div3A_391 : i32
    %jit3A_414 = arith.constant 2048 : i32
    %eq3A_415 = arith.constant 0 : i32
    %eq3A_416 = arith.cmpi eq, %jit3A_414, %eq3A_415 : i32
    %jit3A_417 = arith.constant 1 : i32
    %select_n3A_418 = arith.select %eq3A_416, %jit3A_417, %jit3A_414 : i32
    %rem3A_419 = arith.remsi %add3A_389, %select_n3A_418 : i32
    %ne3A_420 = arith.constant 0 : i32
    %ne3A_421 = arith.cmpi ne, %rem3A_419, %ne3A_420 : i32
    %lt3A_422 = arith.constant 0 : i32
    %lt3A_423 = arith.cmpi slt, %rem3A_419, %lt3A_422 : i32
    %lt3A_424 = arith.constant 0 : i32
    %lt3A_425 = arith.cmpi slt, %select_n3A_418, %lt3A_424 : i32
    %ne3A_426 = arith.xori %lt3A_423, %lt3A_425 : i1
    %and3A_427 = arith.andi %ne3A_426, %ne3A_421 : i1
    %add3A_428 = arith.addi %rem3A_419, %select_n3A_418 : i32
    %select_n3A_429 = arith.select %and3A_427, %add3A_428, %rem3A_419 : i32
    %dma_start3A_430 = arith.constant 0 : i32
    %dma_start3A_431 = tpu.memref_slice %arg4[%select_n3A_413, %select_n3A_429, %dma_start3A_430] : memref<4x2048x1024xf32, #tpu.memory_space<hbm>> -> memref<1x16x1024xf32, #tpu.memory_space<hbm>>
    %dma_start3A_432 = tpu.memref_squeeze %dma_start3A_431 : memref<1x16x1024xf32, #tpu.memory_space<hbm>> -> memref<16x1024xf32, #tpu.memory_space<hbm>>
    %dma_start3A_433 = arith.constant 0 : i32
    %dma_start3A_434 = tpu.memref_slice %arg4[%select_n3A_413, %select_n3A_429, %dma_start3A_433] : memref<4x2048x1024xf32, #tpu.memory_space<hbm>> -> memref<1x16x1024xf32, #tpu.memory_space<hbm>>
    %dma_start3A_435 = tpu.memref_squeeze %dma_start3A_434 : memref<1x16x1024xf32, #tpu.memory_space<hbm>> -> memref<16x1024xf32, #tpu.memory_space<hbm>>
    tpu.enqueue_dma source(%arg11 : memref<16x1024xf32, #tpu.memory_space<vmem>>) target(%dma_start3A_435 : memref<16x1024xf32, #tpu.memory_space<hbm>>) target_semaphore(%arg23 : memref<!tpu.dma_semaphore, #tpu.memory_space<semaphore_mem>>)
    %dma_wait3A_436 = arith.constant 0 : i32
    %dma_wait3A_437 = tpu.memref_slice %arg4[%select_n3A_413, %select_n3A_429, %dma_wait3A_436] : memref<4x2048x1024xf32, #tpu.memory_space<hbm>> -> memref<1x16x1024xf32, #tpu.memory_space<hbm>>
    %dma_wait3A_438 = tpu.memref_squeeze %dma_wait3A_437 : memref<1x16x1024xf32, #tpu.memory_space<hbm>> -> memref<16x1024xf32, #tpu.memory_space<hbm>>
    %dma_wait3A_439 = arith.constant 0 : i32
    %dma_wait3A_440 = tpu.memref_slice %arg4[%select_n3A_413, %select_n3A_429, %dma_wait3A_439] : memref<4x2048x1024xf32, #tpu.memory_space<hbm>> -> memref<1x16x1024xf32, #tpu.memory_space<hbm>>
    %dma_wait3A_441 = tpu.memref_squeeze %dma_wait3A_440 : memref<1x16x1024xf32, #tpu.memory_space<hbm>> -> memref<16x1024xf32, #tpu.memory_space<hbm>>
    tpu.wait_dma2 semaphore(%arg23 : memref<!tpu.dma_semaphore, #tpu.memory_space<semaphore_mem>>) src(%arg11 : memref<16x1024xf32, #tpu.memory_space<vmem>>) dst(%dma_wait3A_441 : memref<16x1024xf32, #tpu.memory_space<hbm>>)
    %dma_start3A_442 = arith.constant 176 : i32
    %dma_start3A_443 = tpu.memref_slice %arg5[%dma_start3A_442] : memref<256xi32, #tpu.memory_space<vmem>> -> memref<16xi32, #tpu.memory_space<vmem>>
    %dma_start3A_444 = arith.constant 0 : i32
    %dma_start3A_445 = arith.constant 0 : i32
    %dma_start3A_446 = tpu.memref_slice %arg3[%dma_start3A_444, %dma_start3A_445] : memref<100000x1024xf32, #tpu.memory_space<hbm>> -> memref<100000x1024xf32, #tpu.memory_space<hbm>>
    tpu.enqueue_indirect_dma source(%dma_start3A_446 : memref<100000x1024xf32, #tpu.memory_space<hbm>>) target(%arg11 : memref<16x1024xf32, #tpu.memory_space<vmem>>) offsets(%dma_start3A_443 : memref<16xi32, #tpu.memory_space<vmem>>) semaphore(%arg17 : memref<!tpu.dma_semaphore, #tpu.memory_space<semaphore_mem>>)
    %dma_wait3A_447 = arith.constant 96 : i32
    %dma_wait3A_448 = tpu.memref_slice %arg5[%dma_wait3A_447] : memref<256xi32, #tpu.memory_space<vmem>> -> memref<16xi32, #tpu.memory_space<vmem>>
    %dma_wait3A_449 = arith.constant 0 : i32
    %dma_wait3A_450 = arith.constant 0 : i32
    %dma_wait3A_451 = tpu.memref_slice %arg3[%dma_wait3A_449, %dma_wait3A_450] : memref<100000x1024xf32, #tpu.memory_space<hbm>> -> memref<100000x1024xf32, #tpu.memory_space<hbm>>
    tpu.wait_indirect_dma semaphore(%arg12 : memref<!tpu.dma_semaphore, #tpu.memory_space<semaphore_mem>>) src(%dma_wait3A_451 : memref<100000x1024xf32, #tpu.memory_space<hbm>>) dst(%arg6 : memref<16x1024xf32, #tpu.memory_space<vmem>>)
    %add3A_452 = arith.constant 96 : i32
    %add3A_453 = arith.addi %mul3A_2, %add3A_452 : i32
    %jit3A_454 = arith.constant 2048 : i32
    %div3A_455 = arith.divsi %add3A_453, %jit3A_454 : i32
    %sign3A_456 = arith.constant 0 : i32
    %sign3A_457 = arith.cmpi sgt, %add3A_453, %sign3A_456 : i32
    %sign3A_458 = arith.extui %sign3A_457 : i1 to i32
    %sign3A_459 = arith.constant 0 : i32
    %sign3A_460 = arith.cmpi slt, %add3A_453, %sign3A_459 : i32
    %sign3A_461 = arith.extui %sign3A_460 : i1 to i32
    %sign3A_462 = arith.subi %sign3A_458, %sign3A_461 : i32
    %sign3A_463 = arith.constant 0 : i32
    %sign3A_464 = arith.cmpi sgt, %jit3A_454, %sign3A_463 : i32
    %sign3A_465 = arith.extui %sign3A_464 : i1 to i32
    %sign3A_466 = arith.constant 0 : i32
    %sign3A_467 = arith.cmpi slt, %jit3A_454, %sign3A_466 : i32
    %sign3A_468 = arith.extui %sign3A_467 : i1 to i32
    %sign3A_469 = arith.subi %sign3A_465, %sign3A_468 : i32
    %ne3A_470 = arith.cmpi ne, %sign3A_462, %sign3A_469 : i32
    %rem3A_471 = arith.remsi %add3A_453, %jit3A_454 : i32
    %ne3A_472 = arith.constant 0 : i32
    %ne3A_473 = arith.cmpi ne, %rem3A_471, %ne3A_472 : i32
    %and3A_474 = arith.andi %ne3A_470, %ne3A_473 : i1
    %sub3A_475 = arith.constant 1 : i32
    %sub3A_476 = arith.subi %div3A_455, %sub3A_475 : i32
    %select_n3A_477 = arith.select %and3A_474, %sub3A_476, %div3A_455 : i32
    %jit3A_478 = arith.constant 2048 : i32
    %eq3A_479 = arith.constant 0 : i32
    %eq3A_480 = arith.cmpi eq, %jit3A_478, %eq3A_479 : i32
    %jit3A_481 = arith.constant 1 : i32
    %select_n3A_482 = arith.select %eq3A_480, %jit3A_481, %jit3A_478 : i32
    %rem3A_483 = arith.remsi %add3A_453, %select_n3A_482 : i32
    %ne3A_484 = arith.constant 0 : i32
    %ne3A_485 = arith.cmpi ne, %rem3A_483, %ne3A_484 : i32
    %lt3A_486 = arith.constant 0 : i32
    %lt3A_487 = arith.cmpi slt, %rem3A_483, %lt3A_486 : i32
    %lt3A_488 = arith.constant 0 : i32
    %lt3A_489 = arith.cmpi slt, %select_n3A_482, %lt3A_488 : i32
    %ne3A_490 = arith.xori %lt3A_487, %lt3A_489 : i1
    %and3A_491 = arith.andi %ne3A_490, %ne3A_485 : i1
    %add3A_492 = arith.addi %rem3A_483, %select_n3A_482 : i32
    %select_n3A_493 = arith.select %and3A_491, %add3A_492, %rem3A_483 : i32
    %dma_start3A_494 = arith.constant 0 : i32
    %dma_start3A_495 = tpu.memref_slice %arg4[%select_n3A_477, %select_n3A_493, %dma_start3A_494] : memref<4x2048x1024xf32, #tpu.memory_space<hbm>> -> memref<1x16x1024xf32, #tpu.memory_space<hbm>>
    %dma_start3A_496 = tpu.memref_squeeze %dma_start3A_495 : memref<1x16x1024xf32, #tpu.memory_space<hbm>> -> memref<16x1024xf32, #tpu.memory_space<hbm>>
    %dma_start3A_497 = arith.constant 0 : i32
    %dma_start3A_498 = tpu.memref_slice %arg4[%select_n3A_477, %select_n3A_493, %dma_start3A_497] : memref<4x2048x1024xf32, #tpu.memory_space<hbm>> -> memref<1x16x1024xf32, #tpu.memory_space<hbm>>
    %dma_start3A_499 = tpu.memref_squeeze %dma_start3A_498 : memref<1x16x1024xf32, #tpu.memory_space<hbm>> -> memref<16x1024xf32, #tpu.memory_space<hbm>>
    tpu.enqueue_dma source(%arg6 : memref<16x1024xf32, #tpu.memory_space<vmem>>) target(%dma_start3A_499 : memref<16x1024xf32, #tpu.memory_space<hbm>>) target_semaphore(%arg18 : memref<!tpu.dma_semaphore, #tpu.memory_space<semaphore_mem>>)
    %dma_wait3A_500 = arith.constant 0 : i32
    %dma_wait3A_501 = tpu.memref_slice %arg4[%select_n3A_477, %select_n3A_493, %dma_wait3A_500] : memref<4x2048x1024xf32, #tpu.memory_space<hbm>> -> memref<1x16x1024xf32, #tpu.memory_space<hbm>>
    %dma_wait3A_502 = tpu.memref_squeeze %dma_wait3A_501 : memref<1x16x1024xf32, #tpu.memory_space<hbm>> -> memref<16x1024xf32, #tpu.memory_space<hbm>>
    %dma_wait3A_503 = arith.constant 0 : i32
    %dma_wait3A_504 = tpu.memref_slice %arg4[%select_n3A_477, %select_n3A_493, %dma_wait3A_503] : memref<4x2048x1024xf32, #tpu.memory_space<hbm>> -> memref<1x16x1024xf32, #tpu.memory_space<hbm>>
    %dma_wait3A_505 = tpu.memref_squeeze %dma_wait3A_504 : memref<1x16x1024xf32, #tpu.memory_space<hbm>> -> memref<16x1024xf32, #tpu.memory_space<hbm>>
    tpu.wait_dma2 semaphore(%arg18 : memref<!tpu.dma_semaphore, #tpu.memory_space<semaphore_mem>>) src(%arg6 : memref<16x1024xf32, #tpu.memory_space<vmem>>) dst(%dma_wait3A_505 : memref<16x1024xf32, #tpu.memory_space<hbm>>)
    %dma_start3A_506 = arith.constant 192 : i32
    %dma_start3A_507 = tpu.memref_slice %arg5[%dma_start3A_506] : memref<256xi32, #tpu.memory_space<vmem>> -> memref<16xi32, #tpu.memory_space<vmem>>
    %dma_start3A_508 = arith.constant 0 : i32
    %dma_start3A_509 = arith.constant 0 : i32
    %dma_start3A_510 = tpu.memref_slice %arg3[%dma_start3A_508, %dma_start3A_509] : memref<100000x1024xf32, #tpu.memory_space<hbm>> -> memref<100000x1024xf32, #tpu.memory_space<hbm>>
    tpu.enqueue_indirect_dma source(%dma_start3A_510 : memref<100000x1024xf32, #tpu.memory_space<hbm>>) target(%arg6 : memref<16x1024xf32, #tpu.memory_space<vmem>>) offsets(%dma_start3A_507 : memref<16xi32, #tpu.memory_space<vmem>>) semaphore(%arg12 : memref<!tpu.dma_semaphore, #tpu.memory_space<semaphore_mem>>)
    %dma_wait3A_511 = arith.constant 112 : i32
    %dma_wait3A_512 = tpu.memref_slice %arg5[%dma_wait3A_511] : memref<256xi32, #tpu.memory_space<vmem>> -> memref<16xi32, #tpu.memory_space<vmem>>
    %dma_wait3A_513 = arith.constant 0 : i32
    %dma_wait3A_514 = arith.constant 0 : i32
    %dma_wait3A_515 = tpu.memref_slice %arg3[%dma_wait3A_513, %dma_wait3A_514] : memref<100000x1024xf32, #tpu.memory_space<hbm>> -> memref<100000x1024xf32, #tpu.memory_space<hbm>>
    tpu.wait_indirect_dma semaphore(%arg13 : memref<!tpu.dma_semaphore, #tpu.memory_space<semaphore_mem>>) src(%dma_wait3A_515 : memref<100000x1024xf32, #tpu.memory_space<hbm>>) dst(%arg7 : memref<16x1024xf32, #tpu.memory_space<vmem>>)
    %add3A_516 = arith.constant 112 : i32
    %add3A_517 = arith.addi %mul3A_2, %add3A_516 : i32
    %jit3A_518 = arith.constant 2048 : i32
    %div3A_519 = arith.divsi %add3A_517, %jit3A_518 : i32
    %sign3A_520 = arith.constant 0 : i32
    %sign3A_521 = arith.cmpi sgt, %add3A_517, %sign3A_520 : i32
    %sign3A_522 = arith.extui %sign3A_521 : i1 to i32
    %sign3A_523 = arith.constant 0 : i32
    %sign3A_524 = arith.cmpi slt, %add3A_517, %sign3A_523 : i32
    %sign3A_525 = arith.extui %sign3A_524 : i1 to i32
    %sign3A_526 = arith.subi %sign3A_522, %sign3A_525 : i32
    %sign3A_527 = arith.constant 0 : i32
    %sign3A_528 = arith.cmpi sgt, %jit3A_518, %sign3A_527 : i32
    %sign3A_529 = arith.extui %sign3A_528 : i1 to i32
    %sign3A_530 = arith.constant 0 : i32
    %sign3A_531 = arith.cmpi slt, %jit3A_518, %sign3A_530 : i32
    %sign3A_532 = arith.extui %sign3A_531 : i1 to i32
    %sign3A_533 = arith.subi %sign3A_529, %sign3A_532 : i32
    %ne3A_534 = arith.cmpi ne, %sign3A_526, %sign3A_533 : i32
    %rem3A_535 = arith.remsi %add3A_517, %jit3A_518 : i32
    %ne3A_536 = arith.constant 0 : i32
    %ne3A_537 = arith.cmpi ne, %rem3A_535, %ne3A_536 : i32
    %and3A_538 = arith.andi %ne3A_534, %ne3A_537 : i1
    %sub3A_539 = arith.constant 1 : i32
    %sub3A_540 = arith.subi %div3A_519, %sub3A_539 : i32
    %select_n3A_541 = arith.select %and3A_538, %sub3A_540, %div3A_519 : i32
    %jit3A_542 = arith.constant 2048 : i32
    %eq3A_543 = arith.constant 0 : i32
    %eq3A_544 = arith.cmpi eq, %jit3A_542, %eq3A_543 : i32
    %jit3A_545 = arith.constant 1 : i32
    %select_n3A_546 = arith.select %eq3A_544, %jit3A_545, %jit3A_542 : i32
    %rem3A_547 = arith.remsi %add3A_517, %select_n3A_546 : i32
    %ne3A_548 = arith.constant 0 : i32
    %ne3A_549 = arith.cmpi ne, %rem3A_547, %ne3A_548 : i32
    %lt3A_550 = arith.constant 0 : i32
    %lt3A_551 = arith.cmpi slt, %rem3A_547, %lt3A_550 : i32
    %lt3A_552 = arith.constant 0 : i32
    %lt3A_553 = arith.cmpi slt, %select_n3A_546, %lt3A_552 : i32
    %ne3A_554 = arith.xori %lt3A_551, %lt3A_553 : i1
    %and3A_555 = arith.andi %ne3A_554, %ne3A_549 : i1
    %add3A_556 = arith.addi %rem3A_547, %select_n3A_546 : i32
    %select_n3A_557 = arith.select %and3A_555, %add3A_556, %rem3A_547 : i32
    %dma_start3A_558 = arith.constant 0 : i32
    %dma_start3A_559 = tpu.memref_slice %arg4[%select_n3A_541, %select_n3A_557, %dma_start3A_558] : memref<4x2048x1024xf32, #tpu.memory_space<hbm>> -> memref<1x16x1024xf32, #tpu.memory_space<hbm>>
    %dma_start3A_560 = tpu.memref_squeeze %dma_start3A_559 : memref<1x16x1024xf32, #tpu.memory_space<hbm>> -> memref<16x1024xf32, #tpu.memory_space<hbm>>
    %dma_start3A_561 = arith.constant 0 : i32
    %dma_start3A_562 = tpu.memref_slice %arg4[%select_n3A_541, %select_n3A_557, %dma_start3A_561] : memref<4x2048x1024xf32, #tpu.memory_space<hbm>> -> memref<1x16x1024xf32, #tpu.memory_space<hbm>>
    %dma_start3A_563 = tpu.memref_squeeze %dma_start3A_562 : memref<1x16x1024xf32, #tpu.memory_space<hbm>> -> memref<16x1024xf32, #tpu.memory_space<hbm>>
    tpu.enqueue_dma source(%arg7 : memref<16x1024xf32, #tpu.memory_space<vmem>>) target(%dma_start3A_563 : memref<16x1024xf32, #tpu.memory_space<hbm>>) target_semaphore(%arg19 : memref<!tpu.dma_semaphore, #tpu.memory_space<semaphore_mem>>)
    %dma_wait3A_564 = arith.constant 0 : i32
    %dma_wait3A_565 = tpu.memref_slice %arg4[%select_n3A_541, %select_n3A_557, %dma_wait3A_564] : memref<4x2048x1024xf32, #tpu.memory_space<hbm>> -> memref<1x16x1024xf32, #tpu.memory_space<hbm>>
    %dma_wait3A_566 = tpu.memref_squeeze %dma_wait3A_565 : memref<1x16x1024xf32, #tpu.memory_space<hbm>> -> memref<16x1024xf32, #tpu.memory_space<hbm>>
    %dma_wait3A_567 = arith.constant 0 : i32
    %dma_wait3A_568 = tpu.memref_slice %arg4[%select_n3A_541, %select_n3A_557, %dma_wait3A_567] : memref<4x2048x1024xf32, #tpu.memory_space<hbm>> -> memref<1x16x1024xf32, #tpu.memory_space<hbm>>
    %dma_wait3A_569 = tpu.memref_squeeze %dma_wait3A_568 : memref<1x16x1024xf32, #tpu.memory_space<hbm>> -> memref<16x1024xf32, #tpu.memory_space<hbm>>
    tpu.wait_dma2 semaphore(%arg19 : memref<!tpu.dma_semaphore, #tpu.memory_space<semaphore_mem>>) src(%arg7 : memref<16x1024xf32, #tpu.memory_space<vmem>>) dst(%dma_wait3A_569 : memref<16x1024xf32, #tpu.memory_space<hbm>>)
    %dma_start3A_570 = arith.constant 208 : i32
    %dma_start3A_571 = tpu.memref_slice %arg5[%dma_start3A_570] : memref<256xi32, #tpu.memory_space<vmem>> -> memref<16xi32, #tpu.memory_space<vmem>>
    %dma_start3A_572 = arith.constant 0 : i32
    %dma_start3A_573 = arith.constant 0 : i32
    %dma_start3A_574 = tpu.memref_slice %arg3[%dma_start3A_572, %dma_start3A_573] : memref<100000x1024xf32, #tpu.memory_space<hbm>> -> memref<100000x1024xf32, #tpu.memory_space<hbm>>
    tpu.enqueue_indirect_dma source(%dma_start3A_574 : memref<100000x1024xf32, #tpu.memory_space<hbm>>) target(%arg7 : memref<16x1024xf32, #tpu.memory_space<vmem>>) offsets(%dma_start3A_571 : memref<16xi32, #tpu.memory_space<vmem>>) semaphore(%arg13 : memref<!tpu.dma_semaphore, #tpu.memory_space<semaphore_mem>>)
    %dma_wait3A_575 = arith.constant 128 : i32
    %dma_wait3A_576 = tpu.memref_slice %arg5[%dma_wait3A_575] : memref<256xi32, #tpu.memory_space<vmem>> -> memref<16xi32, #tpu.memory_space<vmem>>
    %dma_wait3A_577 = arith.constant 0 : i32
    %dma_wait3A_578 = arith.constant 0 : i32
    %dma_wait3A_579 = tpu.memref_slice %arg3[%dma_wait3A_577, %dma_wait3A_578] : memref<100000x1024xf32, #tpu.memory_space<hbm>> -> memref<100000x1024xf32, #tpu.memory_space<hbm>>
    tpu.wait_indirect_dma semaphore(%arg14 : memref<!tpu.dma_semaphore, #tpu.memory_space<semaphore_mem>>) src(%dma_wait3A_579 : memref<100000x1024xf32, #tpu.memory_space<hbm>>) dst(%arg8 : memref<16x1024xf32, #tpu.memory_space<vmem>>)
    %add3A_580 = arith.constant 128 : i32
    %add3A_581 = arith.addi %mul3A_2, %add3A_580 : i32
    %jit3A_582 = arith.constant 2048 : i32
    %div3A_583 = arith.divsi %add3A_581, %jit3A_582 : i32
    %sign3A_584 = arith.constant 0 : i32
    %sign3A_585 = arith.cmpi sgt, %add3A_581, %sign3A_584 : i32
    %sign3A_586 = arith.extui %sign3A_585 : i1 to i32
    %sign3A_587 = arith.constant 0 : i32
    %sign3A_588 = arith.cmpi slt, %add3A_581, %sign3A_587 : i32
    %sign3A_589 = arith.extui %sign3A_588 : i1 to i32
    %sign3A_590 = arith.subi %sign3A_586, %sign3A_589 : i32
    %sign3A_591 = arith.constant 0 : i32
    %sign3A_592 = arith.cmpi sgt, %jit3A_582, %sign3A_591 : i32
    %sign3A_593 = arith.extui %sign3A_592 : i1 to i32
    %sign3A_594 = arith.constant 0 : i32
    %sign3A_595 = arith.cmpi slt, %jit3A_582, %sign3A_594 : i32
    %sign3A_596 = arith.extui %sign3A_595 : i1 to i32
    %sign3A_597 = arith.subi %sign3A_593, %sign3A_596 : i32
    %ne3A_598 = arith.cmpi ne, %sign3A_590, %sign3A_597 : i32
    %rem3A_599 = arith.remsi %add3A_581, %jit3A_582 : i32
    %ne3A_600 = arith.constant 0 : i32
    %ne3A_601 = arith.cmpi ne, %rem3A_599, %ne3A_600 : i32
    %and3A_602 = arith.andi %ne3A_598, %ne3A_601 : i1
    %sub3A_603 = arith.constant 1 : i32
    %sub3A_604 = arith.subi %div3A_583, %sub3A_603 : i32
    %select_n3A_605 = arith.select %and3A_602, %sub3A_604, %div3A_583 : i32
    %jit3A_606 = arith.constant 2048 : i32
    %eq3A_607 = arith.constant 0 : i32
    %eq3A_608 = arith.cmpi eq, %jit3A_606, %eq3A_607 : i32
    %jit3A_609 = arith.constant 1 : i32
    %select_n3A_610 = arith.select %eq3A_608, %jit3A_609, %jit3A_606 : i32
    %rem3A_611 = arith.remsi %add3A_581, %select_n3A_610 : i32
    %ne3A_612 = arith.constant 0 : i32
    %ne3A_613 = arith.cmpi ne, %rem3A_611, %ne3A_612 : i32
    %lt3A_614 = arith.constant 0 : i32
    %lt3A_615 = arith.cmpi slt, %rem3A_611, %lt3A_614 : i32
    %lt3A_616 = arith.constant 0 : i32
    %lt3A_617 = arith.cmpi slt, %select_n3A_610, %lt3A_616 : i32
    %ne3A_618 = arith.xori %lt3A_615, %lt3A_617 : i1
    %and3A_619 = arith.andi %ne3A_618, %ne3A_613 : i1
    %add3A_620 = arith.addi %rem3A_611, %select_n3A_610 : i32
    %select_n3A_621 = arith.select %and3A_619, %add3A_620, %rem3A_611 : i32
    %dma_start3A_622 = arith.constant 0 : i32
    %dma_start3A_623 = tpu.memref_slice %arg4[%select_n3A_605, %select_n3A_621, %dma_start3A_622] : memref<4x2048x1024xf32, #tpu.memory_space<hbm>> -> memref<1x16x1024xf32, #tpu.memory_space<hbm>>
    %dma_start3A_624 = tpu.memref_squeeze %dma_start3A_623 : memref<1x16x1024xf32, #tpu.memory_space<hbm>> -> memref<16x1024xf32, #tpu.memory_space<hbm>>
    %dma_start3A_625 = arith.constant 0 : i32
    %dma_start3A_626 = tpu.memref_slice %arg4[%select_n3A_605, %select_n3A_621, %dma_start3A_625] : memref<4x2048x1024xf32, #tpu.memory_space<hbm>> -> memref<1x16x1024xf32, #tpu.memory_space<hbm>>
    %dma_start3A_627 = tpu.memref_squeeze %dma_start3A_626 : memref<1x16x1024xf32, #tpu.memory_space<hbm>> -> memref<16x1024xf32, #tpu.memory_space<hbm>>
    tpu.enqueue_dma source(%arg8 : memref<16x1024xf32, #tpu.memory_space<vmem>>) target(%dma_start3A_627 : memref<16x1024xf32, #tpu.memory_space<hbm>>) target_semaphore(%arg20 : memref<!tpu.dma_semaphore, #tpu.memory_space<semaphore_mem>>)
    %dma_wait3A_628 = arith.constant 0 : i32
    %dma_wait3A_629 = tpu.memref_slice %arg4[%select_n3A_605, %select_n3A_621, %dma_wait3A_628] : memref<4x2048x1024xf32, #tpu.memory_space<hbm>> -> memref<1x16x1024xf32, #tpu.memory_space<hbm>>
    %dma_wait3A_630 = tpu.memref_squeeze %dma_wait3A_629 : memref<1x16x1024xf32, #tpu.memory_space<hbm>> -> memref<16x1024xf32, #tpu.memory_space<hbm>>
    %dma_wait3A_631 = arith.constant 0 : i32
    %dma_wait3A_632 = tpu.memref_slice %arg4[%select_n3A_605, %select_n3A_621, %dma_wait3A_631] : memref<4x2048x1024xf32, #tpu.memory_space<hbm>> -> memref<1x16x1024xf32, #tpu.memory_space<hbm>>
    %dma_wait3A_633 = tpu.memref_squeeze %dma_wait3A_632 : memref<1x16x1024xf32, #tpu.memory_space<hbm>> -> memref<16x1024xf32, #tpu.memory_space<hbm>>
    tpu.wait_dma2 semaphore(%arg20 : memref<!tpu.dma_semaphore, #tpu.memory_space<semaphore_mem>>) src(%arg8 : memref<16x1024xf32, #tpu.memory_space<vmem>>) dst(%dma_wait3A_633 : memref<16x1024xf32, #tpu.memory_space<hbm>>)
    %dma_start3A_634 = arith.constant 224 : i32
    %dma_start3A_635 = tpu.memref_slice %arg5[%dma_start3A_634] : memref<256xi32, #tpu.memory_space<vmem>> -> memref<16xi32, #tpu.memory_space<vmem>>
    %dma_start3A_636 = arith.constant 0 : i32
    %dma_start3A_637 = arith.constant 0 : i32
    %dma_start3A_638 = tpu.memref_slice %arg3[%dma_start3A_636, %dma_start3A_637] : memref<100000x1024xf32, #tpu.memory_space<hbm>> -> memref<100000x1024xf32, #tpu.memory_space<hbm>>
    tpu.enqueue_indirect_dma source(%dma_start3A_638 : memref<100000x1024xf32, #tpu.memory_space<hbm>>) target(%arg8 : memref<16x1024xf32, #tpu.memory_space<vmem>>) offsets(%dma_start3A_635 : memref<16xi32, #tpu.memory_space<vmem>>) semaphore(%arg14 : memref<!tpu.dma_semaphore, #tpu.memory_space<semaphore_mem>>)
    %dma_wait3A_639 = arith.constant 144 : i32
    %dma_wait3A_640 = tpu.memref_slice %arg5[%dma_wait3A_639] : memref<256xi32, #tpu.memory_space<vmem>> -> memref<16xi32, #tpu.memory_space<vmem>>
    %dma_wait3A_641 = arith.constant 0 : i32
    %dma_wait3A_642 = arith.constant 0 : i32
    %dma_wait3A_643 = tpu.memref_slice %arg3[%dma_wait3A_641, %dma_wait3A_642] : memref<100000x1024xf32, #tpu.memory_space<hbm>> -> memref<100000x1024xf32, #tpu.memory_space<hbm>>
    tpu.wait_indirect_dma semaphore(%arg15 : memref<!tpu.dma_semaphore, #tpu.memory_space<semaphore_mem>>) src(%dma_wait3A_643 : memref<100000x1024xf32, #tpu.memory_space<hbm>>) dst(%arg9 : memref<16x1024xf32, #tpu.memory_space<vmem>>)
    %add3A_644 = arith.constant 144 : i32
    %add3A_645 = arith.addi %mul3A_2, %add3A_644 : i32
    %jit3A_646 = arith.constant 2048 : i32
    %div3A_647 = arith.divsi %add3A_645, %jit3A_646 : i32
    %sign3A_648 = arith.constant 0 : i32
    %sign3A_649 = arith.cmpi sgt, %add3A_645, %sign3A_648 : i32
    %sign3A_650 = arith.extui %sign3A_649 : i1 to i32
    %sign3A_651 = arith.constant 0 : i32
    %sign3A_652 = arith.cmpi slt, %add3A_645, %sign3A_651 : i32
    %sign3A_653 = arith.extui %sign3A_652 : i1 to i32
    %sign3A_654 = arith.subi %sign3A_650, %sign3A_653 : i32
    %sign3A_655 = arith.constant 0 : i32
    %sign3A_656 = arith.cmpi sgt, %jit3A_646, %sign3A_655 : i32
    %sign3A_657 = arith.extui %sign3A_656 : i1 to i32
    %sign3A_658 = arith.constant 0 : i32
    %sign3A_659 = arith.cmpi slt, %jit3A_646, %sign3A_658 : i32
    %sign3A_660 = arith.extui %sign3A_659 : i1 to i32
    %sign3A_661 = arith.subi %sign3A_657, %sign3A_660 : i32
    %ne3A_662 = arith.cmpi ne, %sign3A_654, %sign3A_661 : i32
    %rem3A_663 = arith.remsi %add3A_645, %jit3A_646 : i32
    %ne3A_664 = arith.constant 0 : i32
    %ne3A_665 = arith.cmpi ne, %rem3A_663, %ne3A_664 : i32
    %and3A_666 = arith.andi %ne3A_662, %ne3A_665 : i1
    %sub3A_667 = arith.constant 1 : i32
    %sub3A_668 = arith.subi %div3A_647, %sub3A_667 : i32
    %select_n3A_669 = arith.select %and3A_666, %sub3A_668, %div3A_647 : i32
    %jit3A_670 = arith.constant 2048 : i32
    %eq3A_671 = arith.constant 0 : i32
    %eq3A_672 = arith.cmpi eq, %jit3A_670, %eq3A_671 : i32
    %jit3A_673 = arith.constant 1 : i32
    %select_n3A_674 = arith.select %eq3A_672, %jit3A_673, %jit3A_670 : i32
    %rem3A_675 = arith.remsi %add3A_645, %select_n3A_674 : i32
    %ne3A_676 = arith.constant 0 : i32
    %ne3A_677 = arith.cmpi ne, %rem3A_675, %ne3A_676 : i32
    %lt3A_678 = arith.constant 0 : i32
    %lt3A_679 = arith.cmpi slt, %rem3A_675, %lt3A_678 : i32
    %lt3A_680 = arith.constant 0 : i32
    %lt3A_681 = arith.cmpi slt, %select_n3A_674, %lt3A_680 : i32
    %ne3A_682 = arith.xori %lt3A_679, %lt3A_681 : i1
    %and3A_683 = arith.andi %ne3A_682, %ne3A_677 : i1
    %add3A_684 = arith.addi %rem3A_675, %select_n3A_674 : i32
    %select_n3A_685 = arith.select %and3A_683, %add3A_684, %rem3A_675 : i32
    %dma_start3A_686 = arith.constant 0 : i32
    %dma_start3A_687 = tpu.memref_slice %arg4[%select_n3A_669, %select_n3A_685, %dma_start3A_686] : memref<4x2048x1024xf32, #tpu.memory_space<hbm>> -> memref<1x16x1024xf32, #tpu.memory_space<hbm>>
    %dma_start3A_688 = tpu.memref_squeeze %dma_start3A_687 : memref<1x16x1024xf32, #tpu.memory_space<hbm>> -> memref<16x1024xf32, #tpu.memory_space<hbm>>
    %dma_start3A_689 = arith.constant 0 : i32
    %dma_start3A_690 = tpu.memref_slice %arg4[%select_n3A_669, %select_n3A_685, %dma_start3A_689] : memref<4x2048x1024xf32, #tpu.memory_space<hbm>> -> memref<1x16x1024xf32, #tpu.memory_space<hbm>>
    %dma_start3A_691 = tpu.memref_squeeze %dma_start3A_690 : memref<1x16x1024xf32, #tpu.memory_space<hbm>> -> memref<16x1024xf32, #tpu.memory_space<hbm>>
    tpu.enqueue_dma source(%arg9 : memref<16x1024xf32, #tpu.memory_space<vmem>>) target(%dma_start3A_691 : memref<16x1024xf32, #tpu.memory_space<hbm>>) target_semaphore(%arg21 : memref<!tpu.dma_semaphore, #tpu.memory_space<semaphore_mem>>)
    %dma_wait3A_692 = arith.constant 0 : i32
    %dma_wait3A_693 = tpu.memref_slice %arg4[%select_n3A_669, %select_n3A_685, %dma_wait3A_692] : memref<4x2048x1024xf32, #tpu.memory_space<hbm>> -> memref<1x16x1024xf32, #tpu.memory_space<hbm>>
    %dma_wait3A_694 = tpu.memref_squeeze %dma_wait3A_693 : memref<1x16x1024xf32, #tpu.memory_space<hbm>> -> memref<16x1024xf32, #tpu.memory_space<hbm>>
    %dma_wait3A_695 = arith.constant 0 : i32
    %dma_wait3A_696 = tpu.memref_slice %arg4[%select_n3A_669, %select_n3A_685, %dma_wait3A_695] : memref<4x2048x1024xf32, #tpu.memory_space<hbm>> -> memref<1x16x1024xf32, #tpu.memory_space<hbm>>
    %dma_wait3A_697 = tpu.memref_squeeze %dma_wait3A_696 : memref<1x16x1024xf32, #tpu.memory_space<hbm>> -> memref<16x1024xf32, #tpu.memory_space<hbm>>
    tpu.wait_dma2 semaphore(%arg21 : memref<!tpu.dma_semaphore, #tpu.memory_space<semaphore_mem>>) src(%arg9 : memref<16x1024xf32, #tpu.memory_space<vmem>>) dst(%dma_wait3A_697 : memref<16x1024xf32, #tpu.memory_space<hbm>>)
    %dma_start3A_698 = arith.constant 240 : i32
    %dma_start3A_699 = tpu.memref_slice %arg5[%dma_start3A_698] : memref<256xi32, #tpu.memory_space<vmem>> -> memref<16xi32, #tpu.memory_space<vmem>>
    %dma_start3A_700 = arith.constant 0 : i32
    %dma_start3A_701 = arith.constant 0 : i32
    %dma_start3A_702 = tpu.memref_slice %arg3[%dma_start3A_700, %dma_start3A_701] : memref<100000x1024xf32, #tpu.memory_space<hbm>> -> memref<100000x1024xf32, #tpu.memory_space<hbm>>
    tpu.enqueue_indirect_dma source(%dma_start3A_702 : memref<100000x1024xf32, #tpu.memory_space<hbm>>) target(%arg9 : memref<16x1024xf32, #tpu.memory_space<vmem>>) offsets(%dma_start3A_699 : memref<16xi32, #tpu.memory_space<vmem>>) semaphore(%arg15 : memref<!tpu.dma_semaphore, #tpu.memory_space<semaphore_mem>>)
    %dma_wait3A_703 = arith.constant 160 : i32
    %dma_wait3A_704 = tpu.memref_slice %arg5[%dma_wait3A_703] : memref<256xi32, #tpu.memory_space<vmem>> -> memref<16xi32, #tpu.memory_space<vmem>>
    %dma_wait3A_705 = arith.constant 0 : i32
    %dma_wait3A_706 = arith.constant 0 : i32
    %dma_wait3A_707 = tpu.memref_slice %arg3[%dma_wait3A_705, %dma_wait3A_706] : memref<100000x1024xf32, #tpu.memory_space<hbm>> -> memref<100000x1024xf32, #tpu.memory_space<hbm>>
    tpu.wait_indirect_dma semaphore(%arg16 : memref<!tpu.dma_semaphore, #tpu.memory_space<semaphore_mem>>) src(%dma_wait3A_707 : memref<100000x1024xf32, #tpu.memory_space<hbm>>) dst(%arg10 : memref<16x1024xf32, #tpu.memory_space<vmem>>)
    %add3A_708 = arith.constant 160 : i32
    %add3A_709 = arith.addi %mul3A_2, %add3A_708 : i32
    %jit3A_710 = arith.constant 2048 : i32
    %div3A_711 = arith.divsi %add3A_709, %jit3A_710 : i32
    %sign3A_712 = arith.constant 0 : i32
    %sign3A_713 = arith.cmpi sgt, %add3A_709, %sign3A_712 : i32
    %sign3A_714 = arith.extui %sign3A_713 : i1 to i32
    %sign3A_715 = arith.constant 0 : i32
    %sign3A_716 = arith.cmpi slt, %add3A_709, %sign3A_715 : i32
    %sign3A_717 = arith.extui %sign3A_716 : i1 to i32
    %sign3A_718 = arith.subi %sign3A_714, %sign3A_717 : i32
    %sign3A_719 = arith.constant 0 : i32
    %sign3A_720 = arith.cmpi sgt, %jit3A_710, %sign3A_719 : i32
    %sign3A_721 = arith.extui %sign3A_720 : i1 to i32
    %sign3A_722 = arith.constant 0 : i32
    %sign3A_723 = arith.cmpi slt, %jit3A_710, %sign3A_722 : i32
    %sign3A_724 = arith.extui %sign3A_723 : i1 to i32
    %sign3A_725 = arith.subi %sign3A_721, %sign3A_724 : i32
    %ne3A_726 = arith.cmpi ne, %sign3A_718, %sign3A_725 : i32
    %rem3A_727 = arith.remsi %add3A_709, %jit3A_710 : i32
    %ne3A_728 = arith.constant 0 : i32
    %ne3A_729 = arith.cmpi ne, %rem3A_727, %ne3A_728 : i32
    %and3A_730 = arith.andi %ne3A_726, %ne3A_729 : i1
    %sub3A_731 = arith.constant 1 : i32
    %sub3A_732 = arith.subi %div3A_711, %sub3A_731 : i32
    %select_n3A_733 = arith.select %and3A_730, %sub3A_732, %div3A_711 : i32
    %jit3A_734 = arith.constant 2048 : i32
    %eq3A_735 = arith.constant 0 : i32
    %eq3A_736 = arith.cmpi eq, %jit3A_734, %eq3A_735 : i32
    %jit3A_737 = arith.constant 1 : i32
    %select_n3A_738 = arith.select %eq3A_736, %jit3A_737, %jit3A_734 : i32
    %rem3A_739 = arith.remsi %add3A_709, %select_n3A_738 : i32
    %ne3A_740 = arith.constant 0 : i32
    %ne3A_741 = arith.cmpi ne, %rem3A_739, %ne3A_740 : i32
    %lt3A_742 = arith.constant 0 : i32
    %lt3A_743 = arith.cmpi slt, %rem3A_739, %lt3A_742 : i32
    %lt3A_744 = arith.constant 0 : i32
    %lt3A_745 = arith.cmpi slt, %select_n3A_738, %lt3A_744 : i32
    %ne3A_746 = arith.xori %lt3A_743, %lt3A_745 : i1
    %and3A_747 = arith.andi %ne3A_746, %ne3A_741 : i1
    %add3A_748 = arith.addi %rem3A_739, %select_n3A_738 : i32
    %select_n3A_749 = arith.select %and3A_747, %add3A_748, %rem3A_739 : i32
    %dma_start3A_750 = arith.constant 0 : i32
    %dma_start3A_751 = tpu.memref_slice %arg4[%select_n3A_733, %select_n3A_749, %dma_start3A_750] : memref<4x2048x1024xf32, #tpu.memory_space<hbm>> -> memref<1x16x1024xf32, #tpu.memory_space<hbm>>
    %dma_start3A_752 = tpu.memref_squeeze %dma_start3A_751 : memref<1x16x1024xf32, #tpu.memory_space<hbm>> -> memref<16x1024xf32, #tpu.memory_space<hbm>>
    %dma_start3A_753 = arith.constant 0 : i32
    %dma_start3A_754 = tpu.memref_slice %arg4[%select_n3A_733, %select_n3A_749, %dma_start3A_753] : memref<4x2048x1024xf32, #tpu.memory_space<hbm>> -> memref<1x16x1024xf32, #tpu.memory_space<hbm>>
    %dma_start3A_755 = tpu.memref_squeeze %dma_start3A_754 : memref<1x16x1024xf32, #tpu.memory_space<hbm>> -> memref<16x1024xf32, #tpu.memory_space<hbm>>
    tpu.enqueue_dma source(%arg10 : memref<16x1024xf32, #tpu.memory_space<vmem>>) target(%dma_start3A_755 : memref<16x1024xf32, #tpu.memory_space<hbm>>) target_semaphore(%arg22 : memref<!tpu.dma_semaphore, #tpu.memory_space<semaphore_mem>>)
    %dma_wait3A_756 = arith.constant 176 : i32
    %dma_wait3A_757 = tpu.memref_slice %arg5[%dma_wait3A_756] : memref<256xi32, #tpu.memory_space<vmem>> -> memref<16xi32, #tpu.memory_space<vmem>>
    %dma_wait3A_758 = arith.constant 0 : i32
    %dma_wait3A_759 = arith.constant 0 : i32
    %dma_wait3A_760 = tpu.memref_slice %arg3[%dma_wait3A_758, %dma_wait3A_759] : memref<100000x1024xf32, #tpu.memory_space<hbm>> -> memref<100000x1024xf32, #tpu.memory_space<hbm>>
    tpu.wait_indirect_dma semaphore(%arg17 : memref<!tpu.dma_semaphore, #tpu.memory_space<semaphore_mem>>) src(%dma_wait3A_760 : memref<100000x1024xf32, #tpu.memory_space<hbm>>) dst(%arg11 : memref<16x1024xf32, #tpu.memory_space<vmem>>)
    %add3A_761 = arith.constant 176 : i32
    %add3A_762 = arith.addi %mul3A_2, %add3A_761 : i32
    %jit3A_763 = arith.constant 2048 : i32
    %div3A_764 = arith.divsi %add3A_762, %jit3A_763 : i32
    %sign3A_765 = arith.constant 0 : i32
    %sign3A_766 = arith.cmpi sgt, %add3A_762, %sign3A_765 : i32
    %sign3A_767 = arith.extui %sign3A_766 : i1 to i32
    %sign3A_768 = arith.constant 0 : i32
    %sign3A_769 = arith.cmpi slt, %add3A_762, %sign3A_768 : i32
    %sign3A_770 = arith.extui %sign3A_769 : i1 to i32
    %sign3A_771 = arith.subi %sign3A_767, %sign3A_770 : i32
    %sign3A_772 = arith.constant 0 : i32
    %sign3A_773 = arith.cmpi sgt, %jit3A_763, %sign3A_772 : i32
    %sign3A_774 = arith.extui %sign3A_773 : i1 to i32
    %sign3A_775 = arith.constant 0 : i32
    %sign3A_776 = arith.cmpi slt, %jit3A_763, %sign3A_775 : i32
    %sign3A_777 = arith.extui %sign3A_776 : i1 to i32
    %sign3A_778 = arith.subi %sign3A_774, %sign3A_777 : i32
    %ne3A_779 = arith.cmpi ne, %sign3A_771, %sign3A_778 : i32
    %rem3A_780 = arith.remsi %add3A_762, %jit3A_763 : i32
    %ne3A_781 = arith.constant 0 : i32
    %ne3A_782 = arith.cmpi ne, %rem3A_780, %ne3A_781 : i32
    %and3A_783 = arith.andi %ne3A_779, %ne3A_782 : i1
    %sub3A_784 = arith.constant 1 : i32
    %sub3A_785 = arith.subi %div3A_764, %sub3A_784 : i32
    %select_n3A_786 = arith.select %and3A_783, %sub3A_785, %div3A_764 : i32
    %jit3A_787 = arith.constant 2048 : i32
    %eq3A_788 = arith.constant 0 : i32
    %eq3A_789 = arith.cmpi eq, %jit3A_787, %eq3A_788 : i32
    %jit3A_790 = arith.constant 1 : i32
    %select_n3A_791 = arith.select %eq3A_789, %jit3A_790, %jit3A_787 : i32
    %rem3A_792 = arith.remsi %add3A_762, %select_n3A_791 : i32
    %ne3A_793 = arith.constant 0 : i32
    %ne3A_794 = arith.cmpi ne, %rem3A_792, %ne3A_793 : i32
    %lt3A_795 = arith.constant 0 : i32
    %lt3A_796 = arith.cmpi slt, %rem3A_792, %lt3A_795 : i32
    %lt3A_797 = arith.constant 0 : i32
    %lt3A_798 = arith.cmpi slt, %select_n3A_791, %lt3A_797 : i32
    %ne3A_799 = arith.xori %lt3A_796, %lt3A_798 : i1
    %and3A_800 = arith.andi %ne3A_799, %ne3A_794 : i1
    %add3A_801 = arith.addi %rem3A_792, %select_n3A_791 : i32
    %select_n3A_802 = arith.select %and3A_800, %add3A_801, %rem3A_792 : i32
    %dma_start3A_803 = arith.constant 0 : i32
    %dma_start3A_804 = tpu.memref_slice %arg4[%select_n3A_786, %select_n3A_802, %dma_start3A_803] : memref<4x2048x1024xf32, #tpu.memory_space<hbm>> -> memref<1x16x1024xf32, #tpu.memory_space<hbm>>
    %dma_start3A_805 = tpu.memref_squeeze %dma_start3A_804 : memref<1x16x1024xf32, #tpu.memory_space<hbm>> -> memref<16x1024xf32, #tpu.memory_space<hbm>>
    %dma_start3A_806 = arith.constant 0 : i32
    %dma_start3A_807 = tpu.memref_slice %arg4[%select_n3A_786, %select_n3A_802, %dma_start3A_806] : memref<4x2048x1024xf32, #tpu.memory_space<hbm>> -> memref<1x16x1024xf32, #tpu.memory_space<hbm>>
    %dma_start3A_808 = tpu.memref_squeeze %dma_start3A_807 : memref<1x16x1024xf32, #tpu.memory_space<hbm>> -> memref<16x1024xf32, #tpu.memory_space<hbm>>
    tpu.enqueue_dma source(%arg11 : memref<16x1024xf32, #tpu.memory_space<vmem>>) target(%dma_start3A_808 : memref<16x1024xf32, #tpu.memory_space<hbm>>) target_semaphore(%arg23 : memref<!tpu.dma_semaphore, #tpu.memory_space<semaphore_mem>>)
    %dma_wait3A_809 = arith.constant 192 : i32
    %dma_wait3A_810 = tpu.memref_slice %arg5[%dma_wait3A_809] : memref<256xi32, #tpu.memory_space<vmem>> -> memref<16xi32, #tpu.memory_space<vmem>>
    %dma_wait3A_811 = arith.constant 0 : i32
    %dma_wait3A_812 = arith.constant 0 : i32
    %dma_wait3A_813 = tpu.memref_slice %arg3[%dma_wait3A_811, %dma_wait3A_812] : memref<100000x1024xf32, #tpu.memory_space<hbm>> -> memref<100000x1024xf32, #tpu.memory_space<hbm>>
    tpu.wait_indirect_dma semaphore(%arg12 : memref<!tpu.dma_semaphore, #tpu.memory_space<semaphore_mem>>) src(%dma_wait3A_813 : memref<100000x1024xf32, #tpu.memory_space<hbm>>) dst(%arg6 : memref<16x1024xf32, #tpu.memory_space<vmem>>)
    %add3A_814 = arith.constant 192 : i32
    %add3A_815 = arith.addi %mul3A_2, %add3A_814 : i32
    %jit3A_816 = arith.constant 2048 : i32
    %div3A_817 = arith.divsi %add3A_815, %jit3A_816 : i32
    %sign3A_818 = arith.constant 0 : i32
    %sign3A_819 = arith.cmpi sgt, %add3A_815, %sign3A_818 : i32
    %sign3A_820 = arith.extui %sign3A_819 : i1 to i32
    %sign3A_821 = arith.constant 0 : i32
    %sign3A_822 = arith.cmpi slt, %add3A_815, %sign3A_821 : i32
    %sign3A_823 = arith.extui %sign3A_822 : i1 to i32
    %sign3A_824 = arith.subi %sign3A_820, %sign3A_823 : i32
    %sign3A_825 = arith.constant 0 : i32
    %sign3A_826 = arith.cmpi sgt, %jit3A_816, %sign3A_825 : i32
    %sign3A_827 = arith.extui %sign3A_826 : i1 to i32
    %sign3A_828 = arith.constant 0 : i32
    %sign3A_829 = arith.cmpi slt, %jit3A_816, %sign3A_828 : i32
    %sign3A_830 = arith.extui %sign3A_829 : i1 to i32
    %sign3A_831 = arith.subi %sign3A_827, %sign3A_830 : i32
    %ne3A_832 = arith.cmpi ne, %sign3A_824, %sign3A_831 : i32
    %rem3A_833 = arith.remsi %add3A_815, %jit3A_816 : i32
    %ne3A_834 = arith.constant 0 : i32
    %ne3A_835 = arith.cmpi ne, %rem3A_833, %ne3A_834 : i32
    %and3A_836 = arith.andi %ne3A_832, %ne3A_835 : i1
    %sub3A_837 = arith.constant 1 : i32
    %sub3A_838 = arith.subi %div3A_817, %sub3A_837 : i32
    %select_n3A_839 = arith.select %and3A_836, %sub3A_838, %div3A_817 : i32
    %jit3A_840 = arith.constant 2048 : i32
    %eq3A_841 = arith.constant 0 : i32
    %eq3A_842 = arith.cmpi eq, %jit3A_840, %eq3A_841 : i32
    %jit3A_843 = arith.constant 1 : i32
    %select_n3A_844 = arith.select %eq3A_842, %jit3A_843, %jit3A_840 : i32
    %rem3A_845 = arith.remsi %add3A_815, %select_n3A_844 : i32
    %ne3A_846 = arith.constant 0 : i32
    %ne3A_847 = arith.cmpi ne, %rem3A_845, %ne3A_846 : i32
    %lt3A_848 = arith.constant 0 : i32
    %lt3A_849 = arith.cmpi slt, %rem3A_845, %lt3A_848 : i32
    %lt3A_850 = arith.constant 0 : i32
    %lt3A_851 = arith.cmpi slt, %select_n3A_844, %lt3A_850 : i32
    %ne3A_852 = arith.xori %lt3A_849, %lt3A_851 : i1
    %and3A_853 = arith.andi %ne3A_852, %ne3A_847 : i1
    %add3A_854 = arith.addi %rem3A_845, %select_n3A_844 : i32
    %select_n3A_855 = arith.select %and3A_853, %add3A_854, %rem3A_845 : i32
    %dma_start3A_856 = arith.constant 0 : i32
    %dma_start3A_857 = tpu.memref_slice %arg4[%select_n3A_839, %select_n3A_855, %dma_start3A_856] : memref<4x2048x1024xf32, #tpu.memory_space<hbm>> -> memref<1x16x1024xf32, #tpu.memory_space<hbm>>
    %dma_start3A_858 = tpu.memref_squeeze %dma_start3A_857 : memref<1x16x1024xf32, #tpu.memory_space<hbm>> -> memref<16x1024xf32, #tpu.memory_space<hbm>>
    %dma_start3A_859 = arith.constant 0 : i32
    %dma_start3A_860 = tpu.memref_slice %arg4[%select_n3A_839, %select_n3A_855, %dma_start3A_859] : memref<4x2048x1024xf32, #tpu.memory_space<hbm>> -> memref<1x16x1024xf32, #tpu.memory_space<hbm>>
    %dma_start3A_861 = tpu.memref_squeeze %dma_start3A_860 : memref<1x16x1024xf32, #tpu.memory_space<hbm>> -> memref<16x1024xf32, #tpu.memory_space<hbm>>
    tpu.enqueue_dma source(%arg6 : memref<16x1024xf32, #tpu.memory_space<vmem>>) target(%dma_start3A_861 : memref<16x1024xf32, #tpu.memory_space<hbm>>) target_semaphore(%arg18 : memref<!tpu.dma_semaphore, #tpu.memory_space<semaphore_mem>>)
    %dma_wait3A_862 = arith.constant 208 : i32
    %dma_wait3A_863 = tpu.memref_slice %arg5[%dma_wait3A_862] : memref<256xi32, #tpu.memory_space<vmem>> -> memref<16xi32, #tpu.memory_space<vmem>>
    %dma_wait3A_864 = arith.constant 0 : i32
    %dma_wait3A_865 = arith.constant 0 : i32
    %dma_wait3A_866 = tpu.memref_slice %arg3[%dma_wait3A_864, %dma_wait3A_865] : memref<100000x1024xf32, #tpu.memory_space<hbm>> -> memref<100000x1024xf32, #tpu.memory_space<hbm>>
    tpu.wait_indirect_dma semaphore(%arg13 : memref<!tpu.dma_semaphore, #tpu.memory_space<semaphore_mem>>) src(%dma_wait3A_866 : memref<100000x1024xf32, #tpu.memory_space<hbm>>) dst(%arg7 : memref<16x1024xf32, #tpu.memory_space<vmem>>)
    %add3A_867 = arith.constant 208 : i32
    %add3A_868 = arith.addi %mul3A_2, %add3A_867 : i32
    %jit3A_869 = arith.constant 2048 : i32
    %div3A_870 = arith.divsi %add3A_868, %jit3A_869 : i32
    %sign3A_871 = arith.constant 0 : i32
    %sign3A_872 = arith.cmpi sgt, %add3A_868, %sign3A_871 : i32
    %sign3A_873 = arith.extui %sign3A_872 : i1 to i32
    %sign3A_874 = arith.constant 0 : i32
    %sign3A_875 = arith.cmpi slt, %add3A_868, %sign3A_874 : i32
    %sign3A_876 = arith.extui %sign3A_875 : i1 to i32
    %sign3A_877 = arith.subi %sign3A_873, %sign3A_876 : i32
    %sign3A_878 = arith.constant 0 : i32
    %sign3A_879 = arith.cmpi sgt, %jit3A_869, %sign3A_878 : i32
    %sign3A_880 = arith.extui %sign3A_879 : i1 to i32
    %sign3A_881 = arith.constant 0 : i32
    %sign3A_882 = arith.cmpi slt, %jit3A_869, %sign3A_881 : i32
    %sign3A_883 = arith.extui %sign3A_882 : i1 to i32
    %sign3A_884 = arith.subi %sign3A_880, %sign3A_883 : i32
    %ne3A_885 = arith.cmpi ne, %sign3A_877, %sign3A_884 : i32
    %rem3A_886 = arith.remsi %add3A_868, %jit3A_869 : i32
    %ne3A_887 = arith.constant 0 : i32
    %ne3A_888 = arith.cmpi ne, %rem3A_886, %ne3A_887 : i32
    %and3A_889 = arith.andi %ne3A_885, %ne3A_888 : i1
    %sub3A_890 = arith.constant 1 : i32
    %sub3A_891 = arith.subi %div3A_870, %sub3A_890 : i32
    %select_n3A_892 = arith.select %and3A_889, %sub3A_891, %div3A_870 : i32
    %jit3A_893 = arith.constant 2048 : i32
    %eq3A_894 = arith.constant 0 : i32
    %eq3A_895 = arith.cmpi eq, %jit3A_893, %eq3A_894 : i32
    %jit3A_896 = arith.constant 1 : i32
    %select_n3A_897 = arith.select %eq3A_895, %jit3A_896, %jit3A_893 : i32
    %rem3A_898 = arith.remsi %add3A_868, %select_n3A_897 : i32
    %ne3A_899 = arith.constant 0 : i32
    %ne3A_900 = arith.cmpi ne, %rem3A_898, %ne3A_899 : i32
    %lt3A_901 = arith.constant 0 : i32
    %lt3A_902 = arith.cmpi slt, %rem3A_898, %lt3A_901 : i32
    %lt3A_903 = arith.constant 0 : i32
    %lt3A_904 = arith.cmpi slt, %select_n3A_897, %lt3A_903 : i32
    %ne3A_905 = arith.xori %lt3A_902, %lt3A_904 : i1
    %and3A_906 = arith.andi %ne3A_905, %ne3A_900 : i1
    %add3A_907 = arith.addi %rem3A_898, %select_n3A_897 : i32
    %select_n3A_908 = arith.select %and3A_906, %add3A_907, %rem3A_898 : i32
    %dma_start3A_909 = arith.constant 0 : i32
    %dma_start3A_910 = tpu.memref_slice %arg4[%select_n3A_892, %select_n3A_908, %dma_start3A_909] : memref<4x2048x1024xf32, #tpu.memory_space<hbm>> -> memref<1x16x1024xf32, #tpu.memory_space<hbm>>
    %dma_start3A_911 = tpu.memref_squeeze %dma_start3A_910 : memref<1x16x1024xf32, #tpu.memory_space<hbm>> -> memref<16x1024xf32, #tpu.memory_space<hbm>>
    %dma_start3A_912 = arith.constant 0 : i32
    %dma_start3A_913 = tpu.memref_slice %arg4[%select_n3A_892, %select_n3A_908, %dma_start3A_912] : memref<4x2048x1024xf32, #tpu.memory_space<hbm>> -> memref<1x16x1024xf32, #tpu.memory_space<hbm>>
    %dma_start3A_914 = tpu.memref_squeeze %dma_start3A_913 : memref<1x16x1024xf32, #tpu.memory_space<hbm>> -> memref<16x1024xf32, #tpu.memory_space<hbm>>
    tpu.enqueue_dma source(%arg7 : memref<16x1024xf32, #tpu.memory_space<vmem>>) target(%dma_start3A_914 : memref<16x1024xf32, #tpu.memory_space<hbm>>) target_semaphore(%arg19 : memref<!tpu.dma_semaphore, #tpu.memory_space<semaphore_mem>>)
    %dma_wait3A_915 = arith.constant 224 : i32
    %dma_wait3A_916 = tpu.memref_slice %arg5[%dma_wait3A_915] : memref<256xi32, #tpu.memory_space<vmem>> -> memref<16xi32, #tpu.memory_space<vmem>>
    %dma_wait3A_917 = arith.constant 0 : i32
    %dma_wait3A_918 = arith.constant 0 : i32
    %dma_wait3A_919 = tpu.memref_slice %arg3[%dma_wait3A_917, %dma_wait3A_918] : memref<100000x1024xf32, #tpu.memory_space<hbm>> -> memref<100000x1024xf32, #tpu.memory_space<hbm>>
    tpu.wait_indirect_dma semaphore(%arg14 : memref<!tpu.dma_semaphore, #tpu.memory_space<semaphore_mem>>) src(%dma_wait3A_919 : memref<100000x1024xf32, #tpu.memory_space<hbm>>) dst(%arg8 : memref<16x1024xf32, #tpu.memory_space<vmem>>)
    %add3A_920 = arith.constant 224 : i32
    %add3A_921 = arith.addi %mul3A_2, %add3A_920 : i32
    %jit3A_922 = arith.constant 2048 : i32
    %div3A_923 = arith.divsi %add3A_921, %jit3A_922 : i32
    %sign3A_924 = arith.constant 0 : i32
    %sign3A_925 = arith.cmpi sgt, %add3A_921, %sign3A_924 : i32
    %sign3A_926 = arith.extui %sign3A_925 : i1 to i32
    %sign3A_927 = arith.constant 0 : i32
    %sign3A_928 = arith.cmpi slt, %add3A_921, %sign3A_927 : i32
    %sign3A_929 = arith.extui %sign3A_928 : i1 to i32
    %sign3A_930 = arith.subi %sign3A_926, %sign3A_929 : i32
    %sign3A_931 = arith.constant 0 : i32
    %sign3A_932 = arith.cmpi sgt, %jit3A_922, %sign3A_931 : i32
    %sign3A_933 = arith.extui %sign3A_932 : i1 to i32
    %sign3A_934 = arith.constant 0 : i32
    %sign3A_935 = arith.cmpi slt, %jit3A_922, %sign3A_934 : i32
    %sign3A_936 = arith.extui %sign3A_935 : i1 to i32
    %sign3A_937 = arith.subi %sign3A_933, %sign3A_936 : i32
    %ne3A_938 = arith.cmpi ne, %sign3A_930, %sign3A_937 : i32
    %rem3A_939 = arith.remsi %add3A_921, %jit3A_922 : i32
    %ne3A_940 = arith.constant 0 : i32
    %ne3A_941 = arith.cmpi ne, %rem3A_939, %ne3A_940 : i32
    %and3A_942 = arith.andi %ne3A_938, %ne3A_941 : i1
    %sub3A_943 = arith.constant 1 : i32
    %sub3A_944 = arith.subi %div3A_923, %sub3A_943 : i32
    %select_n3A_945 = arith.select %and3A_942, %sub3A_944, %div3A_923 : i32
    %jit3A_946 = arith.constant 2048 : i32
    %eq3A_947 = arith.constant 0 : i32
    %eq3A_948 = arith.cmpi eq, %jit3A_946, %eq3A_947 : i32
    %jit3A_949 = arith.constant 1 : i32
    %select_n3A_950 = arith.select %eq3A_948, %jit3A_949, %jit3A_946 : i32
    %rem3A_951 = arith.remsi %add3A_921, %select_n3A_950 : i32
    %ne3A_952 = arith.constant 0 : i32
    %ne3A_953 = arith.cmpi ne, %rem3A_951, %ne3A_952 : i32
    %lt3A_954 = arith.constant 0 : i32
    %lt3A_955 = arith.cmpi slt, %rem3A_951, %lt3A_954 : i32
    %lt3A_956 = arith.constant 0 : i32
    %lt3A_957 = arith.cmpi slt, %select_n3A_950, %lt3A_956 : i32
    %ne3A_958 = arith.xori %lt3A_955, %lt3A_957 : i1
    %and3A_959 = arith.andi %ne3A_958, %ne3A_953 : i1
    %add3A_960 = arith.addi %rem3A_951, %select_n3A_950 : i32
    %select_n3A_961 = arith.select %and3A_959, %add3A_960, %rem3A_951 : i32
    %dma_start3A_962 = arith.constant 0 : i32
    %dma_start3A_963 = tpu.memref_slice %arg4[%select_n3A_945, %select_n3A_961, %dma_start3A_962] : memref<4x2048x1024xf32, #tpu.memory_space<hbm>> -> memref<1x16x1024xf32, #tpu.memory_space<hbm>>
    %dma_start3A_964 = tpu.memref_squeeze %dma_start3A_963 : memref<1x16x1024xf32, #tpu.memory_space<hbm>> -> memref<16x1024xf32, #tpu.memory_space<hbm>>
    %dma_start3A_965 = arith.constant 0 : i32
    %dma_start3A_966 = tpu.memref_slice %arg4[%select_n3A_945, %select_n3A_961, %dma_start3A_965] : memref<4x2048x1024xf32, #tpu.memory_space<hbm>> -> memref<1x16x1024xf32, #tpu.memory_space<hbm>>
    %dma_start3A_967 = tpu.memref_squeeze %dma_start3A_966 : memref<1x16x1024xf32, #tpu.memory_space<hbm>> -> memref<16x1024xf32, #tpu.memory_space<hbm>>
    tpu.enqueue_dma source(%arg8 : memref<16x1024xf32, #tpu.memory_space<vmem>>) target(%dma_start3A_967 : memref<16x1024xf32, #tpu.memory_space<hbm>>) target_semaphore(%arg20 : memref<!tpu.dma_semaphore, #tpu.memory_space<semaphore_mem>>)
    %dma_wait3A_968 = arith.constant 240 : i32
    %dma_wait3A_969 = tpu.memref_slice %arg5[%dma_wait3A_968] : memref<256xi32, #tpu.memory_space<vmem>> -> memref<16xi32, #tpu.memory_space<vmem>>
    %dma_wait3A_970 = arith.constant 0 : i32
    %dma_wait3A_971 = arith.constant 0 : i32
    %dma_wait3A_972 = tpu.memref_slice %arg3[%dma_wait3A_970, %dma_wait3A_971] : memref<100000x1024xf32, #tpu.memory_space<hbm>> -> memref<100000x1024xf32, #tpu.memory_space<hbm>>
    tpu.wait_indirect_dma semaphore(%arg15 : memref<!tpu.dma_semaphore, #tpu.memory_space<semaphore_mem>>) src(%dma_wait3A_972 : memref<100000x1024xf32, #tpu.memory_space<hbm>>) dst(%arg9 : memref<16x1024xf32, #tpu.memory_space<vmem>>)
    %add3A_973 = arith.constant 240 : i32
    %add3A_974 = arith.addi %mul3A_2, %add3A_973 : i32
    %jit3A_975 = arith.constant 2048 : i32
    %div3A_976 = arith.divsi %add3A_974, %jit3A_975 : i32
    %sign3A_977 = arith.constant 0 : i32
    %sign3A_978 = arith.cmpi sgt, %add3A_974, %sign3A_977 : i32
    %sign3A_979 = arith.extui %sign3A_978 : i1 to i32
    %sign3A_980 = arith.constant 0 : i32
    %sign3A_981 = arith.cmpi slt, %add3A_974, %sign3A_980 : i32
    %sign3A_982 = arith.extui %sign3A_981 : i1 to i32
    %sign3A_983 = arith.subi %sign3A_979, %sign3A_982 : i32
    %sign3A_984 = arith.constant 0 : i32
    %sign3A_985 = arith.cmpi sgt, %jit3A_975, %sign3A_984 : i32
    %sign3A_986 = arith.extui %sign3A_985 : i1 to i32
    %sign3A_987 = arith.constant 0 : i32
    %sign3A_988 = arith.cmpi slt, %jit3A_975, %sign3A_987 : i32
    %sign3A_989 = arith.extui %sign3A_988 : i1 to i32
    %sign3A_990 = arith.subi %sign3A_986, %sign3A_989 : i32
    %ne3A_991 = arith.cmpi ne, %sign3A_983, %sign3A_990 : i32
    %rem3A_992 = arith.remsi %add3A_974, %jit3A_975 : i32
    %ne3A_993 = arith.constant 0 : i32
    %ne3A_994 = arith.cmpi ne, %rem3A_992, %ne3A_993 : i32
    %and3A_995 = arith.andi %ne3A_991, %ne3A_994 : i1
    %sub3A_996 = arith.constant 1 : i32
    %sub3A_997 = arith.subi %div3A_976, %sub3A_996 : i32
    %select_n3A_998 = arith.select %and3A_995, %sub3A_997, %div3A_976 : i32
    %jit3A_999 = arith.constant 2048 : i32
    %eq3A_1000 = arith.constant 0 : i32
    %eq3A_1001 = arith.cmpi eq, %jit3A_999, %eq3A_1000 : i32
    %jit3A_1002 = arith.constant 1 : i32
    %select_n3A_1003 = arith.select %eq3A_1001, %jit3A_1002, %jit3A_999 : i32
    %rem3A_1004 = arith.remsi %add3A_974, %select_n3A_1003 : i32
    %ne3A_1005 = arith.constant 0 : i32
    %ne3A_1006 = arith.cmpi ne, %rem3A_1004, %ne3A_1005 : i32
    %lt3A_1007 = arith.constant 0 : i32
    %lt3A_1008 = arith.cmpi slt, %rem3A_1004, %lt3A_1007 : i32
    %lt3A_1009 = arith.constant 0 : i32
    %lt3A_1010 = arith.cmpi slt, %select_n3A_1003, %lt3A_1009 : i32
    %ne3A_1011 = arith.xori %lt3A_1008, %lt3A_1010 : i1
    %and3A_1012 = arith.andi %ne3A_1011, %ne3A_1006 : i1
    %add3A_1013 = arith.addi %rem3A_1004, %select_n3A_1003 : i32
    %select_n3A_1014 = arith.select %and3A_1012, %add3A_1013, %rem3A_1004 : i32
    %dma_start3A_1015 = arith.constant 0 : i32
    %dma_start3A_1016 = tpu.memref_slice %arg4[%select_n3A_998, %select_n3A_1014, %dma_start3A_1015] : memref<4x2048x1024xf32, #tpu.memory_space<hbm>> -> memref<1x16x1024xf32, #tpu.memory_space<hbm>>
    %dma_start3A_1017 = tpu.memref_squeeze %dma_start3A_1016 : memref<1x16x1024xf32, #tpu.memory_space<hbm>> -> memref<16x1024xf32, #tpu.memory_space<hbm>>
    %dma_start3A_1018 = arith.constant 0 : i32
    %dma_start3A_1019 = tpu.memref_slice %arg4[%select_n3A_998, %select_n3A_1014, %dma_start3A_1018] : memref<4x2048x1024xf32, #tpu.memory_space<hbm>> -> memref<1x16x1024xf32, #tpu.memory_space<hbm>>
    %dma_start3A_1020 = tpu.memref_squeeze %dma_start3A_1019 : memref<1x16x1024xf32, #tpu.memory_space<hbm>> -> memref<16x1024xf32, #tpu.memory_space<hbm>>
    tpu.enqueue_dma source(%arg9 : memref<16x1024xf32, #tpu.memory_space<vmem>>) target(%dma_start3A_1020 : memref<16x1024xf32, #tpu.memory_space<hbm>>) target_semaphore(%arg21 : memref<!tpu.dma_semaphore, #tpu.memory_space<semaphore_mem>>)
    %dma_wait3A_1021 = arith.constant 0 : i32
    %dma_wait3A_1022 = tpu.memref_slice %arg4[%select_n3A_733, %select_n3A_749, %dma_wait3A_1021] : memref<4x2048x1024xf32, #tpu.memory_space<hbm>> -> memref<1x16x1024xf32, #tpu.memory_space<hbm>>
    %dma_wait3A_1023 = tpu.memref_squeeze %dma_wait3A_1022 : memref<1x16x1024xf32, #tpu.memory_space<hbm>> -> memref<16x1024xf32, #tpu.memory_space<hbm>>
    %dma_wait3A_1024 = arith.constant 0 : i32
    %dma_wait3A_1025 = tpu.memref_slice %arg4[%select_n3A_733, %select_n3A_749, %dma_wait3A_1024] : memref<4x2048x1024xf32, #tpu.memory_space<hbm>> -> memref<1x16x1024xf32, #tpu.memory_space<hbm>>
    %dma_wait3A_1026 = tpu.memref_squeeze %dma_wait3A_1025 : memref<1x16x1024xf32, #tpu.memory_space<hbm>> -> memref<16x1024xf32, #tpu.memory_space<hbm>>
    tpu.wait_dma2 semaphore(%arg22 : memref<!tpu.dma_semaphore, #tpu.memory_space<semaphore_mem>>) src(%arg10 : memref<16x1024xf32, #tpu.memory_space<vmem>>) dst(%dma_wait3A_1026 : memref<16x1024xf32, #tpu.memory_space<hbm>>)
    %dma_wait3A_1027 = arith.constant 0 : i32
    %dma_wait3A_1028 = tpu.memref_slice %arg4[%select_n3A_786, %select_n3A_802, %dma_wait3A_1027] : memref<4x2048x1024xf32, #tpu.memory_space<hbm>> -> memref<1x16x1024xf32, #tpu.memory_space<hbm>>
    %dma_wait3A_1029 = tpu.memref_squeeze %dma_wait3A_1028 : memref<1x16x1024xf32, #tpu.memory_space<hbm>> -> memref<16x1024xf32, #tpu.memory_space<hbm>>
    %dma_wait3A_1030 = arith.constant 0 : i32
    %dma_wait3A_1031 = tpu.memref_slice %arg4[%select_n3A_786, %select_n3A_802, %dma_wait3A_1030] : memref<4x2048x1024xf32, #tpu.memory_space<hbm>> -> memref<1x16x1024xf32, #tpu.memory_space<hbm>>
    %dma_wait3A_1032 = tpu.memref_squeeze %dma_wait3A_1031 : memref<1x16x1024xf32, #tpu.memory_space<hbm>> -> memref<16x1024xf32, #tpu.memory_space<hbm>>
    tpu.wait_dma2 semaphore(%arg23 : memref<!tpu.dma_semaphore, #tpu.memory_space<semaphore_mem>>) src(%arg11 : memref<16x1024xf32, #tpu.memory_space<vmem>>) dst(%dma_wait3A_1032 : memref<16x1024xf32, #tpu.memory_space<hbm>>)
    %dma_wait3A_1033 = arith.constant 0 : i32
    %dma_wait3A_1034 = tpu.memref_slice %arg4[%select_n3A_839, %select_n3A_855, %dma_wait3A_1033] : memref<4x2048x1024xf32, #tpu.memory_space<hbm>> -> memref<1x16x1024xf32, #tpu.memory_space<hbm>>
    %dma_wait3A_1035 = tpu.memref_squeeze %dma_wait3A_1034 : memref<1x16x1024xf32, #tpu.memory_space<hbm>> -> memref<16x1024xf32, #tpu.memory_space<hbm>>
    %dma_wait3A_1036 = arith.constant 0 : i32
    %dma_wait3A_1037 = tpu.memref_slice %arg4[%select_n3A_839, %select_n3A_855, %dma_wait3A_1036] : memref<4x2048x1024xf32, #tpu.memory_space<hbm>> -> memref<1x16x1024xf32, #tpu.memory_space<hbm>>
    %dma_wait3A_1038 = tpu.memref_squeeze %dma_wait3A_1037 : memref<1x16x1024xf32, #tpu.memory_space<hbm>> -> memref<16x1024xf32, #tpu.memory_space<hbm>>
    tpu.wait_dma2 semaphore(%arg18 : memref<!tpu.dma_semaphore, #tpu.memory_space<semaphore_mem>>) src(%arg6 : memref<16x1024xf32, #tpu.memory_space<vmem>>) dst(%dma_wait3A_1038 : memref<16x1024xf32, #tpu.memory_space<hbm>>)
    %dma_wait3A_1039 = arith.constant 0 : i32
    %dma_wait3A_1040 = tpu.memref_slice %arg4[%select_n3A_892, %select_n3A_908, %dma_wait3A_1039] : memref<4x2048x1024xf32, #tpu.memory_space<hbm>> -> memref<1x16x1024xf32, #tpu.memory_space<hbm>>
    %dma_wait3A_1041 = tpu.memref_squeeze %dma_wait3A_1040 : memref<1x16x1024xf32, #tpu.memory_space<hbm>> -> memref<16x1024xf32, #tpu.memory_space<hbm>>
    %dma_wait3A_1042 = arith.constant 0 : i32
    %dma_wait3A_1043 = tpu.memref_slice %arg4[%select_n3A_892, %select_n3A_908, %dma_wait3A_1042] : memref<4x2048x1024xf32, #tpu.memory_space<hbm>> -> memref<1x16x1024xf32, #tpu.memory_space<hbm>>
    %dma_wait3A_1044 = tpu.memref_squeeze %dma_wait3A_1043 : memref<1x16x1024xf32, #tpu.memory_space<hbm>> -> memref<16x1024xf32, #tpu.memory_space<hbm>>
    tpu.wait_dma2 semaphore(%arg19 : memref<!tpu.dma_semaphore, #tpu.memory_space<semaphore_mem>>) src(%arg7 : memref<16x1024xf32, #tpu.memory_space<vmem>>) dst(%dma_wait3A_1044 : memref<16x1024xf32, #tpu.memory_space<hbm>>)
    %dma_wait3A_1045 = arith.constant 0 : i32
    %dma_wait3A_1046 = tpu.memref_slice %arg4[%select_n3A_945, %select_n3A_961, %dma_wait3A_1045] : memref<4x2048x1024xf32, #tpu.memory_space<hbm>> -> memref<1x16x1024xf32, #tpu.memory_space<hbm>>
    %dma_wait3A_1047 = tpu.memref_squeeze %dma_wait3A_1046 : memref<1x16x1024xf32, #tpu.memory_space<hbm>> -> memref<16x1024xf32, #tpu.memory_space<hbm>>
    %dma_wait3A_1048 = arith.constant 0 : i32
    %dma_wait3A_1049 = tpu.memref_slice %arg4[%select_n3A_945, %select_n3A_961, %dma_wait3A_1048] : memref<4x2048x1024xf32, #tpu.memory_space<hbm>> -> memref<1x16x1024xf32, #tpu.memory_space<hbm>>
    %dma_wait3A_1050 = tpu.memref_squeeze %dma_wait3A_1049 : memref<1x16x1024xf32, #tpu.memory_space<hbm>> -> memref<16x1024xf32, #tpu.memory_space<hbm>>
    tpu.wait_dma2 semaphore(%arg20 : memref<!tpu.dma_semaphore, #tpu.memory_space<semaphore_mem>>) src(%arg8 : memref<16x1024xf32, #tpu.memory_space<vmem>>) dst(%dma_wait3A_1050 : memref<16x1024xf32, #tpu.memory_space<hbm>>)
    %dma_wait3A_1051 = arith.constant 0 : i32
    %dma_wait3A_1052 = tpu.memref_slice %arg4[%select_n3A_998, %select_n3A_1014, %dma_wait3A_1051] : memref<4x2048x1024xf32, #tpu.memory_space<hbm>> -> memref<1x16x1024xf32, #tpu.memory_space<hbm>>
    %dma_wait3A_1053 = tpu.memref_squeeze %dma_wait3A_1052 : memref<1x16x1024xf32, #tpu.memory_space<hbm>> -> memref<16x1024xf32, #tpu.memory_space<hbm>>
    %dma_wait3A_1054 = arith.constant 0 : i32
    %dma_wait3A_1055 = tpu.memref_slice %arg4[%select_n3A_998, %select_n3A_1014, %dma_wait3A_1054] : memref<4x2048x1024xf32, #tpu.memory_space<hbm>> -> memref<1x16x1024xf32, #tpu.memory_space<hbm>>
    %dma_wait3A_1056 = tpu.memref_squeeze %dma_wait3A_1055 : memref<1x16x1024xf32, #tpu.memory_space<hbm>> -> memref<16x1024xf32, #tpu.memory_space<hbm>>
    tpu.wait_dma2 semaphore(%arg21 : memref<!tpu.dma_semaphore, #tpu.memory_space<semaphore_mem>>) src(%arg9 : memref<16x1024xf32, #tpu.memory_space<vmem>>) dst(%dma_wait3A_1056 : memref<16x1024xf32, #tpu.memory_space<hbm>>)
    return
  }
}

</mosaic_0001>

<sc_bundles>
// kernel: kernel.3.cloned.1.call-start
scs
__scs_entry_jumppad:
0x0: {  	(pc) =	sbr.rel $0x88, $3  }
0x1: {  	(tag) =	ssettag $0x0;
	lr =	simm.s32 $0x1  }
0x2: {  	[smem:$0x3F9F] =	sst lr;
	_ =	strace $0xD0000000  }
0x3: {  	_ = 	snop  }
0x4: {  	_ = 	snop  }
0x5: {  	_ = 	snop  }
0x6: {  	_ = 	snop  }
0x7: {  	_ = 	snop  }
__scs_overlays_trampoline_lowered:
0x8: {  	[smem:$0x3FAE] =	sst s0  }
0x9: {  	[smem:$0x3FAF] =	sst s1  }
0xa: {  	[smem:$0x3FB0] =	sst s2  }
0xb: {  	[smem:$0x3FB1] =	sst s3  }
0xc: {  	[smem:$0x3FB2] =	sst s4  }
0xd: {  	[smem:$0x3FB3] =	sst s5  }
0xe: {  	[smem:$0x3FB4] =	sst s6  }
0xf: {  	[smem:$0x3FB5] =	sst s7  }
0x10: {  	[smem:$0x3FB6] =	sst s8  }
0x11: {  	[smem:$0x3FB7] =	sst s9;
	s0 =	simm.s32 @!p0 $0x0  }
0x12: {  	s1 =	sld [smem:$0x3F9D];
	s0 =	simm.s32 @p0 $0x1  }
0x13: {  	[smem:$0x3FB8] =	sst s0;
	s0 =	simm.s32 @!p1 $0x0  }
0x14: {  	s2 =	sld [smem:$0x3F9C];
	s0 =	simm.s32 @p1 $0x1  }
0x15: {  	[smem:$0x3FB9] =	sst s0;
	s0 =	simm.s32 @!p2 $0x0  }
0x16: {  	s3 =	sld [smem:$0x3FDB];
	s0 =	simm.s32 @p2 $0x1  }
0x17: {  	s4 =	simm.s32 $0x1BF5;
	[smem:$0x3FBB] =	sst s0  }
0x18: {  	s0 =	sld [smem:$0x3F9E];
	_ =	swait.ge [sflag:s4], $0x0  }
0x19: {  	s7 =	sld [smem:$0x3F9F]  }
0x1a: {  	s8 =	sadd.s32 $0xFFFFE003, lr  }
0x1b: {  	s9 =	sadd.s32 $0xFFFFFEF7, lr;
	s5 =	simm.s32 $0xFFFFFFFF;
	p2 =	slt.u32 s8, $0xFFFFF086  }
0x1c: {  	p1 =	slt.u32 s9, $0xF7A;
	s5 =	simm.s32 @!p2 $0x0  }
0x1d: {  	s5 =	simm.s32 @p1 $0x1;
	p0 =	seq.s32 s7, s2  }
0x1e: {  	s7 =	smul.u32 @!p0 $0xF7A, s2;
	p2 =	seq.s32 @!p0 s5, $0x0  }
0x1f: {  	s9 =	smul.u32 $0xF7A, s1;
	s8 =	simm.s32 @!p0 $0x1BF5;
	p2 =	por !p2, p0  }
0x20: {  	[sflag:s8] =	ssyncset.s32 @!p0 $0xFFFFF086;
	s6 =	sadd.s32 @!p0 s3, s7;
	s7 =	simm.s32 @!p0 $0x108  }
0x21: {  	s3 =	sadd.s32 s3, s9;
	s6 =	sadd.s32 @!p0 $0x88, s6;
	s7 =	simm.s32 @p2 $0x1082  }
0x22: {  	[simem:s7], [sflag:s8] =	dma.local @!p0 [hbm:s6], $0xF7A  }
0x23: {  	s9 =	sor.u32 $0xD0000000, s2;
	s6 =	simm.s32 $0x108;
	_ =	swait.ge @!p0 [sflag:s8], $0x0  }
0x24: {  	s3 =	sadd.s32 $0x88, s3;
	s6 =	simm.s32 @!p1 $0x1082;
	[sflag:s4] =	ssyncset.s32 $0xFFFFF086  }
0x25: {  	[simem:s6], [sflag:s4] =	dma.local [hbm:s3], $0xF7A  }
0x26: {  	[smem:$0x3F9F] =	sst s1;
	(tag) =	ssettag s2;
	_ =	strace s9  }
0x27: {  	s1 =	sld [smem:$0x3FAF]  }
0x28: {  	s2 =	sld [smem:$0x3FB0]  }
0x29: {  	s4 =	sld [smem:$0x3FB2]  }
0x2a: {  	p0 =	seq.s32 s5, $0x0;
	s5 =	sld [smem:$0x3FB3]  }
0x2b: {  	s6 =	sld [smem:$0x3FB4]  }
0x2c: {  	s7 =	sld [smem:$0x3FB5]  }
0x2d: {  	s3 =	simm.s32 $0x108;
	s8 =	sld [smem:$0x3FB6]  }
0x2e: {  	s3 =	simm.s32 @!p0 $0x1082;
	s9 =	sld [smem:$0x3FB7]  }
0x2f: {  	lr =	sadd.s32 s0, s3;
	s0 =	sld [smem:$0x3FAE]  }
0x30: {  	s3 =	sld [smem:$0x3FB1]  }
0x31: {  	[smem:$0x3FBA] =	sst s10  }
0x32: {  	s10 =	sld [smem:$0x3FB8];
	_ =	sdelay $0x3  }
0x33: {  	p0 =	seq.s32 s10, $0x1;
	s10 =	sld [smem:$0x3FBA];
	_ =	sdelay $0x3  }
0x34: {  	[smem:$0x3FBA] =	sst s10  }
0x35: {  	s10 =	sld [smem:$0x3FB9];
	_ =	sdelay $0x3  }
0x36: {  	p1 =	seq.s32 s10, $0x1;
	s10 =	sld [smem:$0x3FBA];
	_ =	sdelay $0x3  }
0x37: {  	[smem:$0x3FBA] =	sst s10  }
0x38: {  	s10 =	sld [smem:$0x3FBB]  }
0x39: {  	_ = 	snop;
	(pc) =	sbr.ind lr, $3  }
0x3a: {  	_ = 	snop  }
0x3b: {  	_ = 	snop  }
0x3c: {  	p2 =	seq.s32 s10, $0x1;
	s10 =	sld [smem:$0x3FBA]  }
0x3d: {  	_ =	shalt  }
0x3e: {  	_ =	shalt  }
0x3f: {  	_ =	shalt  }
0x40: {  	_ =	shalt  }
0x41: {  	_ =	shalt  }
0x42: {  	_ =	shalt  }
0x43: {  	_ =	shalt  }
0x44: {  	_ =	shalt  }
0x45: {  	_ =	shalt  }
0x46: {  	_ =	shalt  }
0x47: {  	_ =	shalt  }
0x48: {  	_ =	shalt  }
0x49: {  	_ =	shalt  }
0x4a: {  	_ =	shalt  }
0x4b: {  	_ =	shalt  }
0x4c: {  	_ =	shalt  }
0x4d: {  	_ =	shalt  }
0x4e: {  	_ =	shalt  }
0x4f: {  	_ =	shalt  }
0x50: {  	_ =	shalt  }
0x51: {  	_ =	shalt  }
0x52: {  	_ =	shalt  }
0x53: {  	_ =	shalt  }
0x54: {  	_ =	shalt  }
0x55: {  	_ =	shalt  }
0x56: {  	_ =	shalt  }
0x57: {  	_ =	shalt  }
0x58: {  	_ =	shalt  }
0x59: {  	_ =	shalt  }
0x5a: {  	_ =	shalt  }
0x5b: {  	_ =	shalt  }
0x5c: {  	_ =	shalt  }
0x5d: {  	_ =	shalt  }
0x5e: {  	_ =	shalt  }
0x5f: {  	_ =	shalt  }
0x60: {  	_ =	shalt  }
0x61: {  	_ =	shalt  }
0x62: {  	_ =	shalt  }
0x63: {  	_ =	shalt  }
0x64: {  	_ =	shalt  }
0x65: {  	_ =	shalt  }
0x66: {  	_ =	shalt  }
0x67: {  	_ =	shalt  }
0x68: {  	_ =	shalt  }
0x69: {  	_ =	shalt  }
0x6a: {  	_ =	shalt  }
0x6b: {  	_ =	shalt  }
0x6c: {  	_ =	shalt  }
0x6d: {  	_ =	shalt  }
0x6e: {  	_ =	shalt  }
0x6f: {  	_ =	shalt  }
0x70: {  	_ =	shalt  }
0x71: {  	_ =	shalt  }
0x72: {  	_ =	shalt  }
0x73: {  	_ =	shalt  }
0x74: {  	_ =	shalt  }
0x75: {  	_ =	shalt  }
0x76: {  	_ =	shalt  }
0x77: {  	_ =	shalt  }
0x78: {  	_ =	shalt  }
0x79: {  	_ =	shalt  }
0x7a: {  	_ =	shalt  }
0x7b: {  	_ =	shalt  }
0x7c: {  	_ =	shalt  }
0x7d: {  	_ =	shalt  }
0x7e: {  	_ =	shalt  }
0x7f: {  	_ =	shalt  }
0x80: {  	_ =	shalt  }
0x81: {  	_ =	shalt  }
0x82: {  	_ =	shalt  }
0x83: {  	_ =	shalt  }
0x84: {  	_ =	shalt  }
0x85: {  	_ =	shalt  }
0x86: {  	_ =	shalt  }
0x87: {  	_ =	shalt  }
.Lfunc_end0:
.L_simem_size_0:
called_computation_lowered:
.L_overlay_start_0:
0x88: {  	s2 =	sld [smem:$0x3FD9]  }
0x89: {  	s3 =	sld [smem:$0x3FFE];
	_ =	sdelay $0x1  }
0x8a: {  	s1 =	srdreg.scid  }
0x8b: {  	s0 =	sand.u32 $0x1, s1  }
0x8c: {  	s18 =	sshll.u32 s0, $0xA;
	s2 =	sadd.s32 s3, s2  }
0x8d: {  	s2 =	sadd.s32 s2, s18  }
0x8e: {  	[smem:$0x3FC6] =	sst s2  }
0x8f: {  	_ = 	snop  }
0x90: {  	s2 =	sld [smem:$0x3FC9]  }
0x91: {  	s19 =	sld [smem:$0x3FC8]  }
0x92: {  	s4 =	sld [smem:$0x3FD0];
	(tm) =	ssettm $0x1  }
0x93: {  	s5 =	sld [smem:$0x3FFB];
	_ =	sdelay $0x3  }
0x94: {  	_ =	strace s5  }
0x95: {  	s5 =	sld [smem:$0x3FFC];
	_ =	sdelay $0x3  }
0x96: {  	_ =	strace s5  }
0x97: {  	s5 =	sld [smem:$0x3FFD];
	_ =	sdelay $0x3  }
0x98: {  	_ =	strace s5  }
0x99: {  	_ =	strace $0x8FFFFFFF  }
0x9a: {  	s20 =	sld [smem:$0x3FDB];
	_ =	sdelay $0x1  }
0x9b: {  	s6 =	simm.s32 $_scs_section_size  }
0x9c: {  	s7 =	simm.s32 $_size__tile_overlayer_lowered;
	s8 =	simm.s32 $_tile_overlayer_lowered  }
0x9d: {  	s23 =	simm.s32 $0x1BFF;
	s22 =	sshll.u32 s8, $0x1;
	s5 =	sadd.s32 s6, s20  }
0x9e: {  	s9 =	simm.s32 $0x0;
	s21 =	sshll.u32 s7, $0x1;
	s7 =	sadd.s32 s22, s5  }
0x9f: {  	[timem:s9], [sflag:s23] =	dma.local [hbm:s7], s21  }
0xa0: {  	_ =	swait.ge [sflag:s23], s21  }
0xa1: {  	s6 =	ssub.s32 $0x0, s21;
	[sflag:s23] =	ssyncset.done $0x0  }
0xa2: {  	[sflag:s23] =	ssyncadd.s32 s6;
	_ =	sdelay $0x1  }
0xa3: {  	s24 =	simm.s32 $0x1B8B  }
0xa4: {  	_ =	swait.ge [sflag:s24], $0x1  }
0xa5: {  	[sflag:s24] =	ssyncset.done $0x0  }
0xa6: {  	s25 =	simm.s32 $0x1B8E;
	[sflag:s24] =	ssyncadd.s32 $0xFFFFFFFF  }
0xa7: {  	s26 =	simm.s32 $execute0_lowered;
	[smem:$0x3FD2] =	sst s25  }
0xa8: {  	s6 =	sshll.u32 s26, $0x1;
	_ =	strace $0x80000046;
	[dreg:$0x1] =	wrdreg $0xFFFFFFFF  }
0xa9: {  	s28 =	simm.s32 $_size_execute0_lowered;
	s5 =	sadd.s32 s5, s6;
	[dreg:$0x0] =	wrdreg $0x0  }
0xaa: {  	s6 =	sshll.u32 s28, $0x1;
	[dreg:$0x2] =	wrdreg s5  }
0xab: {  	[dreg:$0x3] =	wrdreg s6  }
0xac: {  	[dreg:$0x4] =	wrdreg $0xC0  }
0xad: {  	_ =	task [dreg:s9], $0x5FFFF  }
0xae: {  	[dreg:$0x1] =	wrdreg $0xFFFFFFFF  }
0xaf: {  	[dreg:$0x0] =	wrdreg $0x60  }
0xb0: {  	[dreg:$0x2] =	wrdreg s2  }
0xb1: {  	[dreg:$0x3] =	wrdreg s19  }
0xb2: {  	[dreg:$0x4] =	wrdreg s4  }
0xb3: {  	[dreg:$0x5] =	wrdreg $0x9  }
0xb4: {  	_ =	task.clear_ibuf [dreg:s9], $0x6FFFF;
	_ =	strace $0x90000046  }
0xb5: {  	s29 =	simm.s32 $0x9;
	_ =	strace $0x80000048  }
0xb6: {  	_ =	swait.ge [sflag:s29], $0x1  }
0xb7: {  	[sflag:s29] =	ssyncadd.s32 $0xFFFFFFFF  }
0xb8: {  	_ =	strace $0x90000048  }
0xb9: {  	_ =	sfence  }
0xba: {  	s30 =	sld [smem:$0x0];
	_ =	sdelay $0x2  }
0xbb: {  	s31 =	sshll.u32 s1, $0xD;
	s1 =	sshrl.u32 s1, $0x2  }
0xbc: {  	s3 =	sand.u32 $0x4000, s31;
	s1 =	sadd.s32 s1, s30  }
0xbd: {  	s0 =	sor.u32 s3, s0;
	s1 =	sshll.u32 s1, $0x11  }
0xbe: {  	s0 =	sor.u32 s1, s0  }
0xbf: {  	s0 =	sadd.s32 $0x8F2B, s0  }
0xc0: {  	[sflag:s0] =	ssyncadd.remote.s32 $0x1  }
0xc1: {  	_ =	sfence.sel $0xFFFF  }
0xc2: {  	[dreg:$0x0] =	wrdreg $0xFFFFFFFF;
	(pc) =	sbr.abs _section_cstart, $3  }
0xc3: {  	[dreg:$0x1] =	wrdreg $0xFFFFFFFF  }
0xc4: {  	_ =	task.clear_ibuf [dreg:s9], $0x2FFFF;
	_ =	strace $0x9FFFFFFF  }
0xc5: {  	(tm) =	ssettm $0x7FFFFFFF  }
tec
execute0_lowered:
.L_overlay_start_1:
0x0: {  	(tag) =	ssettag $0x1  }
0x1: {  	s0 =	rddreg [dreg:$0x0]  }
0x2: {  	s2 =	rddreg [dreg:$0x1]  }
0x3: {  	s1 =	rddreg [dreg:$0x2];
	s3 =	srdreg.scid  }
0x4: {  	s6 =	stileid.u32;
	s25 =	simm.s32 $0x80;
	s26 =	simm.s32 $0x200  }
0x5: {  	s4 =	sand.u32 $0x1, s3;
	s5 =	sshll.u32 s6, $0x1;
	s3 =	simm.s32 $0x0  }
0x6: {  	s6 =	sshll.u32 s6, $0x2;
	s5 =	sor.u32 s4, s5;
	[smem:$0x7FF] =	sst s3  }
0x7: {  	s6 =	sand.u32 $0x30, s6;
	s7 =	sshll.u32 s5, $0x7;
	s5 =	sshll.u32 s5, $0xF  }
0x8: {  	s0 =	sadd.s32 s0, s6;
	_ =	strace $0x80000047;
	[dreg:$0x14] =	wrdreg s25  }
0x9: {  	[dreg:$0x15] =	wrdreg s26;
	s7 =	sand.u32 $0x380, s7;
	s8 =	sadd.s32 s1, s5  }
0xa: {  	s0 =	sadd.s32 s7, s0;
	[dreg:$0x16] =	wrdreg s8  }
0xb: {  	s9 =	sadd.s32 $0x800, s8;
	[dreg:$0x4] =	wrdreg s0  }
0xc: {  	s28 =	simm.s32 $0x9;
	s10 =	sadd.s32 $0x1000, s8;
	[dreg:$0x5] =	wrdreg s9  }
0xd: {  	s29 =	simm.s32 $0x4;
	s11 =	sadd.s32 $0x1800, s8;
	[dreg:$0x6] =	wrdreg s10  }
0xe: {  	s30 =	simm.s32 $0xA;
	s12 =	sadd.s32 $0x2000, s8;
	[dreg:$0x7] =	wrdreg s11  }
0xf: {  	s31 =	simm.s32 $0x11100;
	s13 =	sadd.s32 $0x2800, s8;
	[dreg:$0x8] =	wrdreg s12  }
0x10: {  	s20 =	ssub.s32 $0x2, s4;
	s14 =	sadd.s32 $0x3000, s8;
	[dreg:$0x9] =	wrdreg s13  }
0x11: {  	s4 =	sshrl.u32 s20, $0x1;
	s15 =	sadd.s32 $0x3800, s8;
	[dreg:$0xa] =	wrdreg s14  }
0x12: {  	s6 =	sadd.s32 $0x200, s2;
	s16 =	sadd.s32 $0x4000, s8;
	[dreg:$0xb] =	wrdreg s15  }
0x13: {  	s25 =	simm.s32 $0x3;
	s17 =	sadd.s32 $0x4800, s8;
	[dreg:$0xc] =	wrdreg s16  }
0x14: {  	s26 =	simm.s32 $0x4100;
	s18 =	sadd.s32 $0x5000, s8;
	[dreg:$0xd] =	wrdreg s17  }
0x15: {  	s1 =	ssub.s32 s20, s4;
	s19 =	sadd.s32 $0x5800, s8;
	[dreg:$0xe] =	wrdreg s18  }
0x16: {  	s5 =	sadd.s32 $0x100, s2;
	s21 =	sadd.s32 $0x6000, s8;
	[dreg:$0xf] =	wrdreg s19  }
0x17: {  	s4 =	simm.s32 $0x8100;
	s22 =	sadd.s32 $0x6800, s8;
	[dreg:$0x10] =	wrdreg s21  }
0x18: {  	s20 =	simm.s32 $0x10900;
	s23 =	sadd.s32 $0x7000, s8;
	[dreg:$0x11] =	wrdreg s22  }
0x19: {  	s24 =	sadd.s32 $0x7800, s8;
	s7 =	sadd.s32 $0x300, s2;
	[dreg:$0x12] =	wrdreg s23  }
0x1a: {  	s8 =	smax.u32 s1, $0x1;
	[dreg:$0x13] =	wrdreg s24;
	s16 =	simm.s32 $0x1  }
0x1b: {  	v2 =	vlaneseq.u32;
	s22 =	simm.s32 $0x7;
	s23 =	simm.s32 $0x2;
	s24 =	simm.s32 $0x8  }
0x1c: {  	vm0 =	vmmov $0xffff;
	v1 =	vshrl.u32 v2, $0x3;
	s18 =	simm.s32 $0x100;
	s9 =	simm.s32 $0xC100;
	s14 =	simm.s32 $0x11900  }
0x1d: {  	v0 =	vand.u32 $0x7, v2;
	v2 =	vor.u32 $0x8, v2;
	v1 =	vmul.u32 $0x8, v1;
	s15 =	simm.s32 $0x12100;
	s17 =	simm.s32 $0x16100;
	s19 =	simm.s32 $0x16900  }
.LBB2_1:
0x1e: {  	s11 =	rddreg [dreg:$0x4]  }
0x1f: {  	s12 =	rddreg [dreg:$0x14]  }
0x20: {  	s13 =	rddreg [dreg:$0x15];
	s10 =	simm.s32 $0xD  }
0x21: {  	[tilespmem:s3], [sflag:$0xD] =	stream.strided.gather [hbm4b:s11+s12], $0x100, s13, s12, $0x38;
	[tilespmem:$0x18100] =	vst v63  }
0x22: {  	_ =	swait.ge [sflag:s10], $0x100  }
0x23: {  	[sflag:s10] =	ssyncset.done $0x0  }
0x24: {  	[sflag:s10] =	ssyncadd.s32 $0xFFFFFF00  }
0x25: {  	v3 =	vld [tilespmem:$0x0];
	_ =	sdelay $0x4  }
0x26: {  	v4 =	vshll.u32 v3, $0x3  }
0x27: {  	v3 =	vand.u32 $0x7, v3;
	v4 =	vand.u32 $0xFFFFFFC0, v4  }
0x28: {  	v3 =	vor.u32 v3, v4  }
0x29: {  	v4 =	vperm.xlane v3, v0;
	_ =	sdelay $0x1  }
0x2a: {  	v4 =	vadd.s32 v1, v4;
	_ =	sdelay $0x4  }
0x2b: {  	[tilespmem:s18], [sflag:$0x1] =	stream.indirect_vreg.gather [hbm4b:s2+s3], $0x80, v4, vm0, $0xb8;
	[tilespmem:$0x18100] =	vst v63  }
0x2c: {  	s0 =	simm.s32 $0x900;
	v3 =	vperm.xlane v3, v2  }
0x2d: {  	[tilespmem:s0], [sflag:$0x1] =	stream.indirect_vreg.gather [hbm4b:s5+s3], $0x80, v4, vm0, $0xb8;
	[tilespmem:$0x18100] =	vst v63  }
0x2e: {  	s12 =	simm.s32 $0x1100;
	v3 =	vadd.s32 v1, v3  }
0x2f: {  	[tilespmem:s12], [sflag:$0x1] =	stream.indirect_vreg.gather [hbm4b:s6+s3], $0x80, v4, vm0, $0xb8;
	[tilespmem:$0x18100] =	vst v63  }
0x30: {  	s13 =	simm.s32 $0x1900  }
0x31: {  	[tilespmem:s13], [sflag:$0x1] =	stream.indirect_vreg.gather [hbm4b:s7+s3], $0x80, v4, vm0, $0xb8;
	[tilespmem:$0x18100] =	vst v63  }
0x32: {  	s21 =	simm.s32 $0x2100  }
0x33: {  	[tilespmem:s21], [sflag:$0x1] =	stream.indirect_vreg.gather [hbm4b:s2+s3], $0x80, v3, vm0, $0xb8;
	[tilespmem:$0x18100] =	vst v63  }
0x34: {  	s10 =	simm.s32 $0x2900  }
0x35: {  	[tilespmem:s10], [sflag:$0x1] =	stream.indirect_vreg.gather [hbm4b:s5+s3], $0x80, v3, vm0, $0xb8;
	[tilespmem:$0x18100] =	vst v63  }
0x36: {  	s11 =	simm.s32 $0x3100  }
0x37: {  	[tilespmem:s11], [sflag:$0x1] =	stream.indirect_vreg.gather [hbm4b:s6+s3], $0x80, v3, vm0, $0xb8;
	[tilespmem:$0x18100] =	vst v63  }
0x38: {  	s12 =	simm.s32 $0x3900  }
0x39: {  	[tilespmem:s12], [sflag:$0x1] =	stream.indirect_vreg.gather [hbm4b:s7+s3], $0x80, v3, vm0, $0xb8;
	[tilespmem:$0x18100] =	vst v63  }
0x3a: {  	v3 =	vld [tilespmem:$0x10];
	_ =	sdelay $0x4  }
0x3b: {  	v49 =	vshll.u32 v3, $0x3  }
0x3c: {  	v3 =	vand.u32 $0x7, v3;
	v4 =	vand.u32 $0xFFFFFFC0, v49  }
0x3d: {  	v3 =	vor.u32 v3, v4  }
0x3e: {  	v4 =	vperm.xlane v3, v0;
	_ =	sdelay $0x1  }
0x3f: {  	v4 =	vadd.s32 v1, v4;
	_ =	sdelay $0x4  }
0x40: {  	[tilespmem:s26], [sflag:$0x2] =	stream.indirect_vreg.gather [hbm4b:s2+s3], $0x80, v4, vm0, $0xb8;
	[tilespmem:$0x18100] =	vst v63  }
0x41: {  	s13 =	simm.s32 $0x4900;
	v3 =	vperm.xlane v3, v2  }
0x42: {  	[tilespmem:s13], [sflag:$0x2] =	stream.indirect_vreg.gather [hbm4b:s5+s3], $0x80, v4, vm0, $0xb8;
	[tilespmem:$0x18100] =	vst v63  }
0x43: {  	s10 =	simm.s32 $0x5100;
	v3 =	vadd.s32 v1, v3  }
0x44: {  	[tilespmem:s10], [sflag:$0x2] =	stream.indirect_vreg.gather [hbm4b:s6+s3], $0x80, v4, vm0, $0xb8;
	[tilespmem:$0x18100] =	vst v63  }
0x45: {  	s11 =	simm.s32 $0x5900  }
0x46: {  	[tilespmem:s11], [sflag:$0x2] =	stream.indirect_vreg.gather [hbm4b:s7+s3], $0x80, v4, vm0, $0xb8;
	[tilespmem:$0x18100] =	vst v63  }
0x47: {  	s12 =	simm.s32 $0x6100  }
0x48: {  	[tilespmem:s12], [sflag:$0x2] =	stream.indirect_vreg.gather [hbm4b:s2+s3], $0x80, v3, vm0, $0xb8;
	[tilespmem:$0x18100] =	vst v63  }
0x49: {  	s13 =	simm.s32 $0x6900  }
0x4a: {  	[tilespmem:s13], [sflag:$0x2] =	stream.indirect_vreg.gather [hbm4b:s5+s3], $0x80, v3, vm0, $0xb8;
	[tilespmem:$0x18100] =	vst v63  }
0x4b: {  	s10 =	simm.s32 $0x7100  }
0x4c: {  	[tilespmem:s10], [sflag:$0x2] =	stream.indirect_vreg.gather [hbm4b:s6+s3], $0x80, v3, vm0, $0xb8;
	[tilespmem:$0x18100] =	vst v63  }
0x4d: {  	s11 =	simm.s32 $0x7900  }
0x4e: {  	[tilespmem:s11], [sflag:$0x2] =	stream.indirect_vreg.gather [hbm4b:s7+s3], $0x80, v3, vm0, $0xb8;
	[tilespmem:$0x18100] =	vst v63  }
0x4f: {  	v3 =	vld [tilespmem:$0x20];
	_ =	sdelay $0x4  }
0x50: {  	v50 =	vshll.u32 v3, $0x3  }
0x51: {  	v3 =	vand.u32 $0x7, v3;
	v4 =	vand.u32 $0xFFFFFFC0, v50  }
0x52: {  	v3 =	vor.u32 v3, v4  }
0x53: {  	v4 =	vperm.xlane v3, v0;
	_ =	sdelay $0x1  }
0x54: {  	v4 =	vadd.s32 v1, v4;
	_ =	sdelay $0x4  }
0x55: {  	[tilespmem:s4], [sflag:$0x3] =	stream.indirect_vreg.gather [hbm4b:s2+s3], $0x80, v4, vm0, $0xb8;
	[tilespmem:$0x18100] =	vst v63  }
0x56: {  	s12 =	simm.s32 $0x8900;
	v3 =	vperm.xlane v3, v2  }
0x57: {  	[tilespmem:s12], [sflag:$0x3] =	stream.indirect_vreg.gather [hbm4b:s5+s3], $0x80, v4, vm0, $0xb8;
	[tilespmem:$0x18100] =	vst v63  }
0x58: {  	s13 =	simm.s32 $0x9100;
	v3 =	vadd.s32 v1, v3  }
0x59: {  	[tilespmem:s13], [sflag:$0x3] =	stream.indirect_vreg.gather [hbm4b:s6+s3], $0x80, v4, vm0, $0xb8;
	[tilespmem:$0x18100] =	vst v63  }
0x5a: {  	s10 =	simm.s32 $0x9900  }
0x5b: {  	[tilespmem:s10], [sflag:$0x3] =	stream.indirect_vreg.gather [hbm4b:s7+s3], $0x80, v4, vm0, $0xb8;
	[tilespmem:$0x18100] =	vst v63  }
0x5c: {  	s11 =	simm.s32 $0xA100  }
0x5d: {  	[tilespmem:s11], [sflag:$0x3] =	stream.indirect_vreg.gather [hbm4b:s2+s3], $0x80, v3, vm0, $0xb8;
	[tilespmem:$0x18100] =	vst v63  }
0x5e: {  	s12 =	simm.s32 $0xA900  }
0x5f: {  	[tilespmem:s12], [sflag:$0x3] =	stream.indirect_vreg.gather [hbm4b:s5+s3], $0x80, v3, vm0, $0xb8;
	[tilespmem:$0x18100] =	vst v63  }
0x60: {  	s13 =	simm.s32 $0xB100  }
0x61: {  	[tilespmem:s13], [sflag:$0x3] =	stream.indirect_vreg.gather [hbm4b:s6+s3], $0x80, v3, vm0, $0xb8;
	[tilespmem:$0x18100] =	vst v63  }
0x62: {  	s10 =	simm.s32 $0xB900  }
0x63: {  	[tilespmem:s10], [sflag:$0x3] =	stream.indirect_vreg.gather [hbm4b:s7+s3], $0x80, v3, vm0, $0xb8;
	[tilespmem:$0x18100] =	vst v63  }
0x64: {  	v3 =	vld [tilespmem:$0x30];
	_ =	sdelay $0x4  }
0x65: {  	v51 =	vshll.u32 v3, $0x3  }
0x66: {  	v3 =	vand.u32 $0x7, v3;
	v4 =	vand.u32 $0xFFFFFFC0, v51  }
0x67: {  	v3 =	vor.u32 v3, v4  }
0x68: {  	v4 =	vperm.xlane v3, v0;
	_ =	sdelay $0x1  }
0x69: {  	v4 =	vadd.s32 v1, v4;
	_ =	sdelay $0x4  }
0x6a: {  	[tilespmem:s9], [sflag:$0x4] =	stream.indirect_vreg.gather [hbm4b:s2+s3], $0x80, v4, vm0, $0xb8;
	[tilespmem:$0x18100] =	vst v63  }
0x6b: {  	s11 =	simm.s32 $0xC900;
	v3 =	vperm.xlane v3, v2  }
0x6c: {  	[tilespmem:s11], [sflag:$0x4] =	stream.indirect_vreg.gather [hbm4b:s5+s3], $0x80, v4, vm0, $0xb8;
	[tilespmem:$0x18100] =	vst v63  }
0x6d: {  	s12 =	simm.s32 $0xD100;
	v3 =	vadd.s32 v1, v3  }
0x6e: {  	[tilespmem:s12], [sflag:$0x4] =	stream.indirect_vreg.gather [hbm4b:s6+s3], $0x80, v4, vm0, $0xb8;
	[tilespmem:$0x18100] =	vst v63  }
0x6f: {  	s13 =	simm.s32 $0xD900  }
0x70: {  	[tilespmem:s13], [sflag:$0x4] =	stream.indirect_vreg.gather [hbm4b:s7+s3], $0x80, v4, vm0, $0xb8;
	[tilespmem:$0x18100] =	vst v63  }
0x71: {  	s10 =	simm.s32 $0xE100  }
0x72: {  	[tilespmem:s10], [sflag:$0x4] =	stream.indirect_vreg.gather [hbm4b:s2+s3], $0x80, v3, vm0, $0xb8;
	[tilespmem:$0x18100] =	vst v63  }
0x73: {  	s11 =	simm.s32 $0xE900  }
0x74: {  	[tilespmem:s11], [sflag:$0x4] =	stream.indirect_vreg.gather [hbm4b:s5+s3], $0x80, v3, vm0, $0xb8;
	[tilespmem:$0x18100] =	vst v63  }
0x75: {  	s12 =	simm.s32 $0xF100  }
0x76: {  	[tilespmem:s12], [sflag:$0x4] =	stream.indirect_vreg.gather [hbm4b:s6+s3], $0x80, v3, vm0, $0xb8;
	[tilespmem:$0x18100] =	vst v63  }
0x77: {  	s13 =	simm.s32 $0xF900  }
0x78: {  	[tilespmem:s13], [sflag:$0x4] =	stream.indirect_vreg.gather [hbm4b:s7+s3], $0x80, v3, vm0, $0xb8;
	[tilespmem:$0x18100] =	vst v63  }
0x79: {  	v3 =	vld [tilespmem:$0x40];
	_ =	sdelay $0x4  }
0x7a: {  	v52 =	vshll.u32 v3, $0x3  }
0x7b: {  	v3 =	vand.u32 $0x7, v3;
	v4 =	vand.u32 $0xFFFFFFC0, v52  }
0x7c: {  	v3 =	vor.u32 v3, v4  }
0x7d: {  	v4 =	vperm.xlane v3, v0;
	_ =	sdelay $0x1  }
0x7e: {  	v4 =	vadd.s32 v1, v4;
	_ =	sdelay $0x3  }
0x7f: {  	s10 =	simm.s32 $0x10100  }
0x80: {  	[tilespmem:s10], [sflag:$0x5] =	stream.indirect_vreg.gather [hbm4b:s2+s3], $0x80, v4, vm0, $0xb8;
	[tilespmem:$0x18100] =	vst v63  }
0x81: {  	v3 =	vperm.xlane v3, v2  }
0x82: {  	[tilespmem:s20], [sflag:$0x5] =	stream.indirect_vreg.gather [hbm4b:s5+s3], $0x80, v4, vm0, $0xb8;
	[tilespmem:$0x18100] =	vst v63  }
0x83: {  	v3 =	vadd.s32 v1, v3  }
0x84: {  	[tilespmem:s31], [sflag:$0x5] =	stream.indirect_vreg.gather [hbm4b:s6+s3], $0x80, v4, vm0, $0xb8;
	[tilespmem:$0x18100] =	vst v63  }
0x85: {  	_ = 	snop  }
0x86: {  	[tilespmem:s14], [sflag:$0x5] =	stream.indirect_vreg.gather [hbm4b:s7+s3], $0x80, v4, vm0, $0xb8;
	[tilespmem:$0x18100] =	vst v63  }
0x87: {  	_ = 	snop  }
0x88: {  	[tilespmem:s15], [sflag:$0x5] =	stream.indirect_vreg.gather [hbm4b:s2+s3], $0x80, v3, vm0, $0xb8;
	[tilespmem:$0x18100] =	vst v63  }
0x89: {  	s10 =	simm.s32 $0x12900  }
0x8a: {  	[tilespmem:s10], [sflag:$0x5] =	stream.indirect_vreg.gather [hbm4b:s5+s3], $0x80, v3, vm0, $0xb8;
	[tilespmem:$0x18100] =	vst v63  }
0x8b: {  	s12 =	simm.s32 $0x13100  }
0x8c: {  	[tilespmem:s12], [sflag:$0x5] =	stream.indirect_vreg.gather [hbm4b:s6+s3], $0x80, v3, vm0, $0xb8;
	[tilespmem:$0x18100] =	vst v63  }
0x8d: {  	s13 =	simm.s32 $0x13900  }
0x8e: {  	[tilespmem:s13], [sflag:$0x5] =	stream.indirect_vreg.gather [hbm4b:s7+s3], $0x80, v3, vm0, $0xb8;
	[tilespmem:$0x18100] =	vst v63  }
0x8f: {  	v3 =	vld [tilespmem:$0x50];
	_ =	sdelay $0x4  }
0x90: {  	v53 =	vshll.u32 v3, $0x3  }
0x91: {  	v3 =	vand.u32 $0x7, v3;
	v4 =	vand.u32 $0xFFFFFFC0, v53  }
0x92: {  	v3 =	vor.u32 v3, v4  }
0x93: {  	v4 =	vperm.xlane v3, v0;
	_ =	sdelay $0x1  }
0x94: {  	v4 =	vadd.s32 v1, v4;
	_ =	sdelay $0x3  }
0x95: {  	s11 =	simm.s32 $0x14100  }
0x96: {  	[tilespmem:s11], [sflag:$0x6] =	stream.indirect_vreg.gather [hbm4b:s2+s3], $0x80, v4, vm0, $0xb8;
	[tilespmem:$0x18100] =	vst v63  }
0x97: {  	v3 =	vperm.xlane v3, v2;
	s11 =	simm.s32 $0x14900  }
0x98: {  	[tilespmem:s11], [sflag:$0x6] =	stream.indirect_vreg.gather [hbm4b:s5+s3], $0x80, v4, vm0, $0xb8;
	[tilespmem:$0x18100] =	vst v63  }
0x99: {  	v3 =	vadd.s32 v1, v3;
	s11 =	simm.s32 $0x15100  }
0x9a: {  	[tilespmem:s11], [sflag:$0x6] =	stream.indirect_vreg.gather [hbm4b:s6+s3], $0x80, v4, vm0, $0xb8;
	[tilespmem:$0x18100] =	vst v63  }
0x9b: {  	s11 =	simm.s32 $0x15900  }
0x9c: {  	[tilespmem:s11], [sflag:$0x6] =	stream.indirect_vreg.gather [hbm4b:s7+s3], $0x80, v4, vm0, $0xb8;
	[tilespmem:$0x18100] =	vst v63  }
0x9d: {  	_ = 	snop  }
0x9e: {  	[tilespmem:s17], [sflag:$0x6] =	stream.indirect_vreg.gather [hbm4b:s2+s3], $0x80, v3, vm0, $0xb8;
	[tilespmem:$0x18100] =	vst v63  }
0x9f: {  	_ = 	snop  }
0xa0: {  	[tilespmem:s19], [sflag:$0x6] =	stream.indirect_vreg.gather [hbm4b:s5+s3], $0x80, v3, vm0, $0xb8;
	[tilespmem:$0x18100] =	vst v63  }
0xa1: {  	s11 =	simm.s32 $0x17100  }
0xa2: {  	[tilespmem:s11], [sflag:$0x6] =	stream.indirect_vreg.gather [hbm4b:s6+s3], $0x80, v3, vm0, $0xb8;
	[tilespmem:$0x18100] =	vst v63  }
0xa3: {  	s11 =	simm.s32 $0x17900  }
0xa4: {  	[tilespmem:s11], [sflag:$0x6] =	stream.indirect_vreg.gather [hbm4b:s7+s3], $0x80, v3, vm0, $0xb8;
	[tilespmem:$0x18100] =	vst v63  }
0xa5: {  	_ =	swait.ge [sflag:s16], $0x4000  }
0xa6: {  	[sflag:s16] =	ssyncset.done $0x0  }
0xa7: {  	s0 =	rddreg [dreg:$0x16];
	[sflag:s16] =	ssyncadd.s32 $0xFFFFC000  }
0xa8: {  	[hbm4b:s0+s3] =	stream.linear.scatter [tilespmem:s18], [sflag:$0x7], $0x4000, $0x38;
	[tilespmem:$0x18100] =	vst v63  }
0xa9: {  	_ =	swait.ge [sflag:s22], $0x4000  }
0xaa: {  	[sflag:s22] =	ssyncset.done $0x0  }
0xab: {  	[sflag:s22] =	ssyncadd.s32 $0xFFFFC000  }
0xac: {  	v3 =	vld [tilespmem:$0x60];
	_ =	sdelay $0x4  }
0xad: {  	v54 =	vshll.u32 v3, $0x3  }
0xae: {  	v3 =	vand.u32 $0x7, v3;
	v4 =	vand.u32 $0xFFFFFFC0, v54  }
0xaf: {  	v3 =	vor.u32 v3, v4  }
0xb0: {  	v4 =	vperm.xlane v3, v0;
	_ =	sdelay $0x1  }
0xb1: {  	v4 =	vadd.s32 v1, v4;
	_ =	sdelay $0x4  }
0xb2: {  	[tilespmem:s18], [sflag:$0x1] =	stream.indirect_vreg.gather [hbm4b:s2+s3], $0x80, v4, vm0, $0xb8;
	[tilespmem:$0x18100] =	vst v63  }
0xb3: {  	s1 =	simm.s32 $0x900;
	v3 =	vperm.xlane v3, v2  }
0xb4: {  	[tilespmem:s1], [sflag:$0x1] =	stream.indirect_vreg.gather [hbm4b:s5+s3], $0x80, v4, vm0, $0xb8;
	[tilespmem:$0x18100] =	vst v63  }
0xb5: {  	s11 =	simm.s32 $0x1100;
	v3 =	vadd.s32 v1, v3  }
0xb6: {  	[tilespmem:s11], [sflag:$0x1] =	stream.indirect_vreg.gather [hbm4b:s6+s3], $0x80, v4, vm0, $0xb8;
	[tilespmem:$0x18100] =	vst v63  }
0xb7: {  	s1 =	simm.s32 $0x1900  }
0xb8: {  	[tilespmem:s1], [sflag:$0x1] =	stream.indirect_vreg.gather [hbm4b:s7+s3], $0x80, v4, vm0, $0xb8;
	[tilespmem:$0x18100] =	vst v63  }
0xb9: {  	s11 =	simm.s32 $0x2100  }
0xba: {  	[tilespmem:s11], [sflag:$0x1] =	stream.indirect_vreg.gather [hbm4b:s2+s3], $0x80, v3, vm0, $0xb8;
	[tilespmem:$0x18100] =	vst v63  }
0xbb: {  	s1 =	simm.s32 $0x2900  }
0xbc: {  	[tilespmem:s1], [sflag:$0x1] =	stream.indirect_vreg.gather [hbm4b:s5+s3], $0x80, v3, vm0, $0xb8;
	[tilespmem:$0x18100] =	vst v63  }
0xbd: {  	s11 =	simm.s32 $0x3100  }
0xbe: {  	[tilespmem:s11], [sflag:$0x1] =	stream.indirect_vreg.gather [hbm4b:s6+s3], $0x80, v3, vm0, $0xb8;
	[tilespmem:$0x18100] =	vst v63  }
0xbf: {  	s21 =	simm.s32 $0x3900  }
0xc0: {  	[tilespmem:s21], [sflag:$0x1] =	stream.indirect_vreg.gather [hbm4b:s7+s3], $0x80, v3, vm0, $0xb8;
	[tilespmem:$0x18100] =	vst v63  }
0xc1: {  	_ =	swait.ge [sflag:s23], $0x4000  }
0xc2: {  	[sflag:s23] =	ssyncset.done $0x0  }
0xc3: {  	s1 =	rddreg [dreg:$0x5];
	[sflag:s23] =	ssyncadd.s32 $0xFFFFC000  }
0xc4: {  	[hbm4b:s1+s3] =	stream.linear.scatter [tilespmem:s26], [sflag:$0x8], $0x4000, $0x38;
	[tilespmem:$0x18100] =	vst v63  }
0xc5: {  	_ =	swait.ge [sflag:s24], $0x4000  }
0xc6: {  	[sflag:s24] =	ssyncset.done $0x0  }
0xc7: {  	[sflag:s24] =	ssyncadd.s32 $0xFFFFC000  }
0xc8: {  	v3 =	vld [tilespmem:$0x70];
	_ =	sdelay $0x4  }
0xc9: {  	v55 =	vshll.u32 v3, $0x3  }
0xca: {  	v3 =	vand.u32 $0x7, v3;
	v4 =	vand.u32 $0xFFFFFFC0, v55  }
0xcb: {  	v3 =	vor.u32 v3, v4  }
0xcc: {  	v4 =	vperm.xlane v3, v0;
	_ =	sdelay $0x1  }
0xcd: {  	v4 =	vadd.s32 v1, v4;
	_ =	sdelay $0x4  }
0xce: {  	[tilespmem:s26], [sflag:$0x2] =	stream.indirect_vreg.gather [hbm4b:s2+s3], $0x80, v4, vm0, $0xb8;
	[tilespmem:$0x18100] =	vst v63  }
0xcf: {  	s21 =	simm.s32 $0x4900;
	v3 =	vperm.xlane v3, v2  }
0xd0: {  	[tilespmem:s21], [sflag:$0x2] =	stream.indirect_vreg.gather [hbm4b:s5+s3], $0x80, v4, vm0, $0xb8;
	[tilespmem:$0x18100] =	vst v63  }
0xd1: {  	s1 =	simm.s32 $0x5100;
	v3 =	vadd.s32 v1, v3  }
0xd2: {  	[tilespmem:s1], [sflag:$0x2] =	stream.indirect_vreg.gather [hbm4b:s6+s3], $0x80, v4, vm0, $0xb8;
	[tilespmem:$0x18100] =	vst v63  }
0xd3: {  	s11 =	simm.s32 $0x5900  }
0xd4: {  	[tilespmem:s11], [sflag:$0x2] =	stream.indirect_vreg.gather [hbm4b:s7+s3], $0x80, v4, vm0, $0xb8;
	[tilespmem:$0x18100] =	vst v63  }
0xd5: {  	s21 =	simm.s32 $0x6100  }
0xd6: {  	[tilespmem:s21], [sflag:$0x2] =	stream.indirect_vreg.gather [hbm4b:s2+s3], $0x80, v3, vm0, $0xb8;
	[tilespmem:$0x18100] =	vst v63  }
0xd7: {  	s1 =	simm.s32 $0x6900  }
0xd8: {  	[tilespmem:s1], [sflag:$0x2] =	stream.indirect_vreg.gather [hbm4b:s5+s3], $0x80, v3, vm0, $0xb8;
	[tilespmem:$0x18100] =	vst v63  }
0xd9: {  	s11 =	simm.s32 $0x7100  }
0xda: {  	[tilespmem:s11], [sflag:$0x2] =	stream.indirect_vreg.gather [hbm4b:s6+s3], $0x80, v3, vm0, $0xb8;
	[tilespmem:$0x18100] =	vst v63  }
0xdb: {  	s21 =	simm.s32 $0x7900  }
0xdc: {  	[tilespmem:s21], [sflag:$0x2] =	stream.indirect_vreg.gather [hbm4b:s7+s3], $0x80, v3, vm0, $0xb8;
	[tilespmem:$0x18100] =	vst v63  }
0xdd: {  	_ =	swait.ge [sflag:s25], $0x4000  }
0xde: {  	[sflag:s25] =	ssyncset.done $0x0  }
0xdf: {  	s1 =	rddreg [dreg:$0x6];
	[sflag:s25] =	ssyncadd.s32 $0xFFFFC000  }
0xe0: {  	[hbm4b:s1+s3] =	stream.linear.scatter [tilespmem:s4], [sflag:$0x9], $0x4000, $0x38;
	[tilespmem:$0x18100] =	vst v63  }
0xe1: {  	_ =	swait.ge [sflag:s28], $0x4000  }
0xe2: {  	[sflag:s28] =	ssyncset.done $0x0  }
0xe3: {  	[sflag:s28] =	ssyncadd.s32 $0xFFFFC000  }
0xe4: {  	v3 =	vld [tilespmem:$0x80];
	_ =	sdelay $0x4  }
0xe5: {  	v56 =	vshll.u32 v3, $0x3  }
0xe6: {  	v3 =	vand.u32 $0x7, v3;
	v4 =	vand.u32 $0xFFFFFFC0, v56  }
0xe7: {  	v3 =	vor.u32 v3, v4  }
0xe8: {  	v4 =	vperm.xlane v3, v0;
	_ =	sdelay $0x1  }
0xe9: {  	v4 =	vadd.s32 v1, v4;
	_ =	sdelay $0x4  }
0xea: {  	[tilespmem:s4], [sflag:$0x3] =	stream.indirect_vreg.gather [hbm4b:s2+s3], $0x80, v4, vm0, $0xb8;
	[tilespmem:$0x18100] =	vst v63  }
0xeb: {  	s21 =	simm.s32 $0x8900;
	v3 =	vperm.xlane v3, v2  }
0xec: {  	[tilespmem:s21], [sflag:$0x3] =	stream.indirect_vreg.gather [hbm4b:s5+s3], $0x80, v4, vm0, $0xb8;
	[tilespmem:$0x18100] =	vst v63  }
0xed: {  	s1 =	simm.s32 $0x9100;
	v3 =	vadd.s32 v1, v3  }
0xee: {  	[tilespmem:s1], [sflag:$0x3] =	stream.indirect_vreg.gather [hbm4b:s6+s3], $0x80, v4, vm0, $0xb8;
	[tilespmem:$0x18100] =	vst v63  }
0xef: {  	s11 =	simm.s32 $0x9900  }
0xf0: {  	[tilespmem:s11], [sflag:$0x3] =	stream.indirect_vreg.gather [hbm4b:s7+s3], $0x80, v4, vm0, $0xb8;
	[tilespmem:$0x18100] =	vst v63  }
0xf1: {  	s21 =	simm.s32 $0xA100  }
0xf2: {  	[tilespmem:s21], [sflag:$0x3] =	stream.indirect_vreg.gather [hbm4b:s2+s3], $0x80, v3, vm0, $0xb8;
	[tilespmem:$0x18100] =	vst v63  }
0xf3: {  	s1 =	simm.s32 $0xA900  }
0xf4: {  	[tilespmem:s1], [sflag:$0x3] =	stream.indirect_vreg.gather [hbm4b:s5+s3], $0x80, v3, vm0, $0xb8;
	[tilespmem:$0x18100] =	vst v63  }
0xf5: {  	s11 =	simm.s32 $0xB100  }
0xf6: {  	[tilespmem:s11], [sflag:$0x3] =	stream.indirect_vreg.gather [hbm4b:s6+s3], $0x80, v3, vm0, $0xb8;
	[tilespmem:$0x18100] =	vst v63  }
0xf7: {  	s21 =	simm.s32 $0xB900  }
0xf8: {  	[tilespmem:s21], [sflag:$0x3] =	stream.indirect_vreg.gather [hbm4b:s7+s3], $0x80, v3, vm0, $0xb8;
	[tilespmem:$0x18100] =	vst v63  }
0xf9: {  	_ =	swait.ge [sflag:s29], $0x4000  }
0xfa: {  	[sflag:s29] =	ssyncset.done $0x0  }
0xfb: {  	s1 =	rddreg [dreg:$0x7];
	[sflag:s29] =	ssyncadd.s32 $0xFFFFC000  }
0xfc: {  	[hbm4b:s1+s3] =	stream.linear.scatter [tilespmem:s9], [sflag:$0xA], $0x4000, $0x38;
	[tilespmem:$0x18100] =	vst v63  }
0xfd: {  	_ =	swait.ge [sflag:s30], $0x4000  }
0xfe: {  	[sflag:s30] =	ssyncset.done $0x0  }
0xff: {  	[sflag:s30] =	ssyncadd.s32 $0xFFFFC000  }
0x100: {  	v3 =	vld [tilespmem:$0x90];
	_ =	sdelay $0x4  }
0x101: {  	v57 =	vshll.u32 v3, $0x3  }
0x102: {  	v3 =	vand.u32 $0x7, v3;
	v4 =	vand.u32 $0xFFFFFFC0, v57  }
0x103: {  	v3 =	vor.u32 v3, v4  }
0x104: {  	v4 =	vperm.xlane v3, v0;
	_ =	sdelay $0x1  }
0x105: {  	v4 =	vadd.s32 v1, v4;
	_ =	sdelay $0x4  }
0x106: {  	[tilespmem:s9], [sflag:$0x4] =	stream.indirect_vreg.gather [hbm4b:s2+s3], $0x80, v4, vm0, $0xb8;
	[tilespmem:$0x18100] =	vst v63  }
0x107: {  	s21 =	simm.s32 $0xC900;
	v3 =	vperm.xlane v3, v2  }
0x108: {  	[tilespmem:s21], [sflag:$0x4] =	stream.indirect_vreg.gather [hbm4b:s5+s3], $0x80, v4, vm0, $0xb8;
	[tilespmem:$0x18100] =	vst v63  }
0x109: {  	s1 =	simm.s32 $0xD100;
	v3 =	vadd.s32 v1, v3  }
0x10a: {  	[tilespmem:s1], [sflag:$0x4] =	stream.indirect_vreg.gather [hbm4b:s6+s3], $0x80, v4, vm0, $0xb8;
	[tilespmem:$0x18100] =	vst v63  }
0x10b: {  	s11 =	simm.s32 $0xD900  }
0x10c: {  	[tilespmem:s11], [sflag:$0x4] =	stream.indirect_vreg.gather [hbm4b:s7+s3], $0x80, v4, vm0, $0xb8;
	[tilespmem:$0x18100] =	vst v63  }
0x10d: {  	s21 =	simm.s32 $0xE100  }
0x10e: {  	[tilespmem:s21], [sflag:$0x4] =	stream.indirect_vreg.gather [hbm4b:s2+s3], $0x80, v3, vm0, $0xb8;
	[tilespmem:$0x18100] =	vst v63  }
0x10f: {  	s1 =	simm.s32 $0xE900  }
0x110: {  	[tilespmem:s1], [sflag:$0x4] =	stream.indirect_vreg.gather [hbm4b:s5+s3], $0x80, v3, vm0, $0xb8;
	[tilespmem:$0x18100] =	vst v63  }
0x111: {  	s11 =	simm.s32 $0xF100  }
0x112: {  	[tilespmem:s11], [sflag:$0x4] =	stream.indirect_vreg.gather [hbm4b:s6+s3], $0x80, v3, vm0, $0xb8;
	[tilespmem:$0x18100] =	vst v63  }
0x113: {  	s0 =	simm.s32 $0x5;
	s21 =	simm.s32 $0xF900  }
0x114: {  	[tilespmem:s21], [sflag:$0x4] =	stream.indirect_vreg.gather [hbm4b:s7+s3], $0x80, v3, vm0, $0xb8;
	[tilespmem:$0x18100] =	vst v63  }
0x115: {  	_ =	swait.ge [sflag:s0], $0x4000  }
0x116: {  	[sflag:s0] =	ssyncset.done $0x0  }
0x117: {  	s21 =	simm.s32 $0x10100;
	s1 =	rddreg [dreg:$0x8];
	[sflag:s0] =	ssyncadd.s32 $0xFFFFC000  }
0x118: {  	[hbm4b:s1+s3] =	stream.linear.scatter [tilespmem:s21], [sflag:$0xB], $0x4000, $0x38;
	[tilespmem:$0x18100] =	vst v63  }
0x119: {  	s1 =	simm.s32 $0xB  }
0x11a: {  	_ =	swait.ge [sflag:s1], $0x4000  }
0x11b: {  	[sflag:s1] =	ssyncset.done $0x0  }
0x11c: {  	[sflag:s1] =	ssyncadd.s32 $0xFFFFC000  }
0x11d: {  	v3 =	vld [tilespmem:$0xA0];
	_ =	sdelay $0x4  }
0x11e: {  	v58 =	vshll.u32 v3, $0x3  }
0x11f: {  	v3 =	vand.u32 $0x7, v3;
	v4 =	vand.u32 $0xFFFFFFC0, v58  }
0x120: {  	v3 =	vor.u32 v3, v4  }
0x121: {  	v4 =	vperm.xlane v3, v0;
	_ =	sdelay $0x1  }
0x122: {  	v4 =	vadd.s32 v1, v4;
	_ =	sdelay $0x4  }
0x123: {  	[tilespmem:s21], [sflag:$0x5] =	stream.indirect_vreg.gather [hbm4b:s2+s3], $0x80, v4, vm0, $0xb8;
	[tilespmem:$0x18100] =	vst v63  }
0x124: {  	v3 =	vperm.xlane v3, v2  }
0x125: {  	[tilespmem:s20], [sflag:$0x5] =	stream.indirect_vreg.gather [hbm4b:s5+s3], $0x80, v4, vm0, $0xb8;
	[tilespmem:$0x18100] =	vst v63  }
0x126: {  	v3 =	vadd.s32 v1, v3  }
0x127: {  	[tilespmem:s31], [sflag:$0x5] =	stream.indirect_vreg.gather [hbm4b:s6+s3], $0x80, v4, vm0, $0xb8;
	[tilespmem:$0x18100] =	vst v63  }
0x128: {  	_ = 	snop  }
0x129: {  	[tilespmem:s14], [sflag:$0x5] =	stream.indirect_vreg.gather [hbm4b:s7+s3], $0x80, v4, vm0, $0xb8;
	[tilespmem:$0x18100] =	vst v63  }
0x12a: {  	_ = 	snop  }
0x12b: {  	[tilespmem:s15], [sflag:$0x5] =	stream.indirect_vreg.gather [hbm4b:s2+s3], $0x80, v3, vm0, $0xb8;
	[tilespmem:$0x18100] =	vst v63  }
0x12c: {  	_ = 	snop  }
0x12d: {  	[tilespmem:s10], [sflag:$0x5] =	stream.indirect_vreg.gather [hbm4b:s5+s3], $0x80, v3, vm0, $0xb8;
	[tilespmem:$0x18100] =	vst v63  }
0x12e: {  	_ = 	snop  }
0x12f: {  	[tilespmem:s12], [sflag:$0x5] =	stream.indirect_vreg.gather [hbm4b:s6+s3], $0x80, v3, vm0, $0xb8;
	[tilespmem:$0x18100] =	vst v63  }
0x130: {  	s10 =	simm.s32 $0x6  }
0x131: {  	[tilespmem:s13], [sflag:$0x5] =	stream.indirect_vreg.gather [hbm4b:s7+s3], $0x80, v3, vm0, $0xb8;
	[tilespmem:$0x18100] =	vst v63  }
0x132: {  	_ =	swait.ge [sflag:s10], $0x4000  }
0x133: {  	[sflag:s10] =	ssyncset.done $0x0  }
0x134: {  	s13 =	simm.s32 $0x14100;
	s12 =	rddreg [dreg:$0x9];
	[sflag:s10] =	ssyncadd.s32 $0xFFFFC000  }
0x135: {  	[hbm4b:s12+s3] =	stream.linear.scatter [tilespmem:s13], [sflag:$0xC], $0x4000, $0x38;
	[tilespmem:$0x18100] =	vst v63  }
0x136: {  	s12 =	simm.s32 $0xC  }
0x137: {  	_ =	swait.ge [sflag:s12], $0x4000  }
0x138: {  	[sflag:s12] =	ssyncset.done $0x0  }
0x139: {  	[sflag:s12] =	ssyncadd.s32 $0xFFFFC000  }
0x13a: {  	v3 =	vld [tilespmem:$0xB0];
	_ =	sdelay $0x4  }
0x13b: {  	v59 =	vshll.u32 v3, $0x3  }
0x13c: {  	v3 =	vand.u32 $0x7, v3;
	v4 =	vand.u32 $0xFFFFFFC0, v59  }
0x13d: {  	v3 =	vor.u32 v3, v4  }
0x13e: {  	v4 =	vperm.xlane v3, v0;
	_ =	sdelay $0x1  }
0x13f: {  	v4 =	vadd.s32 v1, v4;
	_ =	sdelay $0x4  }
0x140: {  	[tilespmem:s13], [sflag:$0x6] =	stream.indirect_vreg.gather [hbm4b:s2+s3], $0x80, v4, vm0, $0xb8;
	[tilespmem:$0x18100] =	vst v63  }
0x141: {  	s11 =	simm.s32 $0x14900;
	v3 =	vperm.xlane v3, v2  }
0x142: {  	[tilespmem:s11], [sflag:$0x6] =	stream.indirect_vreg.gather [hbm4b:s5+s3], $0x80, v4, vm0, $0xb8;
	[tilespmem:$0x18100] =	vst v63  }
0x143: {  	v3 =	vadd.s32 v1, v3;
	s11 =	simm.s32 $0x15100  }
0x144: {  	[tilespmem:s11], [sflag:$0x6] =	stream.indirect_vreg.gather [hbm4b:s6+s3], $0x80, v4, vm0, $0xb8;
	[tilespmem:$0x18100] =	vst v63  }
0x145: {  	s11 =	simm.s32 $0x15900  }
0x146: {  	[tilespmem:s11], [sflag:$0x6] =	stream.indirect_vreg.gather [hbm4b:s7+s3], $0x80, v4, vm0, $0xb8;
	[tilespmem:$0x18100] =	vst v63  }
0x147: {  	_ = 	snop  }
0x148: {  	[tilespmem:s17], [sflag:$0x6] =	stream.indirect_vreg.gather [hbm4b:s2+s3], $0x80, v3, vm0, $0xb8;
	[tilespmem:$0x18100] =	vst v63  }
0x149: {  	_ = 	snop  }
0x14a: {  	[tilespmem:s19], [sflag:$0x6] =	stream.indirect_vreg.gather [hbm4b:s5+s3], $0x80, v3, vm0, $0xb8;
	[tilespmem:$0x18100] =	vst v63  }
0x14b: {  	s11 =	simm.s32 $0x17100  }
0x14c: {  	[tilespmem:s11], [sflag:$0x6] =	stream.indirect_vreg.gather [hbm4b:s6+s3], $0x80, v3, vm0, $0xb8;
	[tilespmem:$0x18100] =	vst v63  }
0x14d: {  	s11 =	simm.s32 $0x17900  }
0x14e: {  	[tilespmem:s11], [sflag:$0x6] =	stream.indirect_vreg.gather [hbm4b:s7+s3], $0x80, v3, vm0, $0xb8;
	[tilespmem:$0x18100] =	vst v63  }
0x14f: {  	_ =	swait.ge [sflag:s16], $0x4000  }
0x150: {  	[sflag:s16] =	ssyncset.done $0x0  }
0x151: {  	s11 =	rddreg [dreg:$0xa];
	[sflag:s16] =	ssyncadd.s32 $0xFFFFC000  }
0x152: {  	[hbm4b:s11+s3] =	stream.linear.scatter [tilespmem:s18], [sflag:$0x7], $0x4000, $0x38;
	[tilespmem:$0x18100] =	vst v63  }
0x153: {  	_ =	swait.ge [sflag:s22], $0x4000  }
0x154: {  	[sflag:s22] =	ssyncset.done $0x0  }
0x155: {  	[sflag:s22] =	ssyncadd.s32 $0xFFFFC000  }
0x156: {  	v3 =	vld [tilespmem:$0xC0];
	_ =	sdelay $0x4  }
0x157: {  	v60 =	vshll.u32 v3, $0x3  }
0x158: {  	v3 =	vand.u32 $0x7, v3;
	v4 =	vand.u32 $0xFFFFFFC0, v60  }
0x159: {  	v3 =	vor.u32 v3, v4  }
0x15a: {  	v4 =	vperm.xlane v3, v0;
	_ =	sdelay $0x1  }
0x15b: {  	v4 =	vadd.s32 v1, v4;
	_ =	sdelay $0x4  }
0x15c: {  	[tilespmem:s18], [sflag:$0x1] =	stream.indirect_vreg.gather [hbm4b:s2+s3], $0x80, v4, vm0, $0xb8;
	[tilespmem:$0x18100] =	vst v63  }
0x15d: {  	s11 =	simm.s32 $0x900;
	v3 =	vperm.xlane v3, v2  }
0x15e: {  	[tilespmem:s11], [sflag:$0x1] =	stream.indirect_vreg.gather [hbm4b:s5+s3], $0x80, v4, vm0, $0xb8;
	[tilespmem:$0x18100] =	vst v63  }
0x15f: {  	v3 =	vadd.s32 v1, v3;
	s11 =	simm.s32 $0x1100  }
0x160: {  	[tilespmem:s11], [sflag:$0x1] =	stream.indirect_vreg.gather [hbm4b:s6+s3], $0x80, v4, vm0, $0xb8;
	[tilespmem:$0x18100] =	vst v63  }
0x161: {  	s11 =	simm.s32 $0x1900  }
0x162: {  	[tilespmem:s11], [sflag:$0x1] =	stream.indirect_vreg.gather [hbm4b:s7+s3], $0x80, v4, vm0, $0xb8;
	[tilespmem:$0x18100] =	vst v63  }
0x163: {  	s11 =	simm.s32 $0x2100  }
0x164: {  	[tilespmem:s11], [sflag:$0x1] =	stream.indirect_vreg.gather [hbm4b:s2+s3], $0x80, v3, vm0, $0xb8;
	[tilespmem:$0x18100] =	vst v63  }
0x165: {  	s11 =	simm.s32 $0x2900  }
0x166: {  	[tilespmem:s11], [sflag:$0x1] =	stream.indirect_vreg.gather [hbm4b:s5+s3], $0x80, v3, vm0, $0xb8;
	[tilespmem:$0x18100] =	vst v63  }
0x167: {  	s11 =	simm.s32 $0x3100  }
0x168: {  	[tilespmem:s11], [sflag:$0x1] =	stream.indirect_vreg.gather [hbm4b:s6+s3], $0x80, v3, vm0, $0xb8;
	[tilespmem:$0x18100] =	vst v63  }
0x169: {  	s11 =	simm.s32 $0x3900  }
0x16a: {  	[tilespmem:s11], [sflag:$0x1] =	stream.indirect_vreg.gather [hbm4b:s7+s3], $0x80, v3, vm0, $0xb8;
	[tilespmem:$0x18100] =	vst v63  }
0x16b: {  	_ =	swait.ge [sflag:s23], $0x4000  }
0x16c: {  	[sflag:s23] =	ssyncset.done $0x0  }
0x16d: {  	s11 =	rddreg [dreg:$0xb];
	[sflag:s23] =	ssyncadd.s32 $0xFFFFC000  }
0x16e: {  	[hbm4b:s11+s3] =	stream.linear.scatter [tilespmem:s26], [sflag:$0x8], $0x4000, $0x38;
	[tilespmem:$0x18100] =	vst v63  }
0x16f: {  	_ =	swait.ge [sflag:s24], $0x4000  }
0x170: {  	[sflag:s24] =	ssyncset.done $0x0  }
0x171: {  	[sflag:s24] =	ssyncadd.s32 $0xFFFFC000  }
0x172: {  	v3 =	vld [tilespmem:$0xD0];
	_ =	sdelay $0x4  }
0x173: {  	v61 =	vshll.u32 v3, $0x3  }
0x174: {  	v3 =	vand.u32 $0x7, v3;
	v4 =	vand.u32 $0xFFFFFFC0, v61  }
0x175: {  	v3 =	vor.u32 v3, v4  }
0x176: {  	v4 =	vperm.xlane v3, v0;
	_ =	sdelay $0x1  }
0x177: {  	v4 =	vadd.s32 v1, v4;
	_ =	sdelay $0x4  }
0x178: {  	[tilespmem:s26], [sflag:$0x2] =	stream.indirect_vreg.gather [hbm4b:s2+s3], $0x80, v4, vm0, $0xb8;
	[tilespmem:$0x18100] =	vst v63  }
0x179: {  	s11 =	simm.s32 $0x4900;
	v3 =	vperm.xlane v3, v2  }
0x17a: {  	[tilespmem:s11], [sflag:$0x2] =	stream.indirect_vreg.gather [hbm4b:s5+s3], $0x80, v4, vm0, $0xb8;
	[tilespmem:$0x18100] =	vst v63  }
0x17b: {  	v3 =	vadd.s32 v1, v3;
	s11 =	simm.s32 $0x5100  }
0x17c: {  	[tilespmem:s11], [sflag:$0x2] =	stream.indirect_vreg.gather [hbm4b:s6+s3], $0x80, v4, vm0, $0xb8;
	[tilespmem:$0x18100] =	vst v63  }
0x17d: {  	s11 =	simm.s32 $0x5900  }
0x17e: {  	[tilespmem:s11], [sflag:$0x2] =	stream.indirect_vreg.gather [hbm4b:s7+s3], $0x80, v4, vm0, $0xb8;
	[tilespmem:$0x18100] =	vst v63  }
0x17f: {  	s11 =	simm.s32 $0x6100  }
0x180: {  	[tilespmem:s11], [sflag:$0x2] =	stream.indirect_vreg.gather [hbm4b:s2+s3], $0x80, v3, vm0, $0xb8;
	[tilespmem:$0x18100] =	vst v63  }
0x181: {  	s11 =	simm.s32 $0x6900  }
0x182: {  	[tilespmem:s11], [sflag:$0x2] =	stream.indirect_vreg.gather [hbm4b:s5+s3], $0x80, v3, vm0, $0xb8;
	[tilespmem:$0x18100] =	vst v63  }
0x183: {  	s11 =	simm.s32 $0x7100  }
0x184: {  	[tilespmem:s11], [sflag:$0x2] =	stream.indirect_vreg.gather [hbm4b:s6+s3], $0x80, v3, vm0, $0xb8;
	[tilespmem:$0x18100] =	vst v63  }
0x185: {  	s11 =	simm.s32 $0x7900  }
0x186: {  	[tilespmem:s11], [sflag:$0x2] =	stream.indirect_vreg.gather [hbm4b:s7+s3], $0x80, v3, vm0, $0xb8;
	[tilespmem:$0x18100] =	vst v63  }
0x187: {  	_ =	swait.ge [sflag:s25], $0x4000  }
0x188: {  	[sflag:s25] =	ssyncset.done $0x0  }
0x189: {  	s11 =	rddreg [dreg:$0xc];
	[sflag:s25] =	ssyncadd.s32 $0xFFFFC000  }
0x18a: {  	[hbm4b:s11+s3] =	stream.linear.scatter [tilespmem:s4], [sflag:$0x9], $0x4000, $0x38;
	[tilespmem:$0x18100] =	vst v63  }
0x18b: {  	_ =	swait.ge [sflag:s28], $0x4000  }
0x18c: {  	[sflag:s28] =	ssyncset.done $0x0  }
0x18d: {  	[sflag:s28] =	ssyncadd.s32 $0xFFFFC000  }
0x18e: {  	v3 =	vld [tilespmem:$0xE0];
	_ =	sdelay $0x4  }
0x18f: {  	v62 =	vshll.u32 v3, $0x3  }
0x190: {  	v3 =	vand.u32 $0x7, v3;
	v4 =	vand.u32 $0xFFFFFFC0, v62  }
0x191: {  	v3 =	vor.u32 v3, v4  }
0x192: {  	v4 =	vperm.xlane v3, v0;
	_ =	sdelay $0x1  }
0x193: {  	v4 =	vadd.s32 v1, v4;
	_ =	sdelay $0x4  }
0x194: {  	[tilespmem:s4], [sflag:$0x3] =	stream.indirect_vreg.gather [hbm4b:s2+s3], $0x80, v4, vm0, $0xb8;
	[tilespmem:$0x18100] =	vst v63  }
0x195: {  	s11 =	simm.s32 $0x8900;
	v3 =	vperm.xlane v3, v2  }
0x196: {  	[tilespmem:s11], [sflag:$0x3] =	stream.indirect_vreg.gather [hbm4b:s5+s3], $0x80, v4, vm0, $0xb8;
	[tilespmem:$0x18100] =	vst v63  }
0x197: {  	v3 =	vadd.s32 v1, v3;
	s11 =	simm.s32 $0x9100  }
0x198: {  	[tilespmem:s11], [sflag:$0x3] =	stream.indirect_vreg.gather [hbm4b:s6+s3], $0x80, v4, vm0, $0xb8;
	[tilespmem:$0x18100] =	vst v63  }
0x199: {  	s11 =	simm.s32 $0x9900  }
0x19a: {  	[tilespmem:s11], [sflag:$0x3] =	stream.indirect_vreg.gather [hbm4b:s7+s3], $0x80, v4, vm0, $0xb8;
	[tilespmem:$0x18100] =	vst v63  }
0x19b: {  	s11 =	simm.s32 $0xA100  }
0x19c: {  	[tilespmem:s11], [sflag:$0x3] =	stream.indirect_vreg.gather [hbm4b:s2+s3], $0x80, v3, vm0, $0xb8;
	[tilespmem:$0x18100] =	vst v63  }
0x19d: {  	s11 =	simm.s32 $0xA900  }
0x19e: {  	[tilespmem:s11], [sflag:$0x3] =	stream.indirect_vreg.gather [hbm4b:s5+s3], $0x80, v3, vm0, $0xb8;
	[tilespmem:$0x18100] =	vst v63  }
0x19f: {  	s11 =	simm.s32 $0xB100  }
0x1a0: {  	[tilespmem:s11], [sflag:$0x3] =	stream.indirect_vreg.gather [hbm4b:s6+s3], $0x80, v3, vm0, $0xb8;
	[tilespmem:$0x18100] =	vst v63  }
0x1a1: {  	s11 =	simm.s32 $0xB900  }
0x1a2: {  	[tilespmem:s11], [sflag:$0x3] =	stream.indirect_vreg.gather [hbm4b:s7+s3], $0x80, v3, vm0, $0xb8;
	[tilespmem:$0x18100] =	vst v63  }
0x1a3: {  	_ =	swait.ge [sflag:s29], $0x4000  }
0x1a4: {  	[sflag:s29] =	ssyncset.done $0x0  }
0x1a5: {  	s11 =	rddreg [dreg:$0xd];
	[sflag:s29] =	ssyncadd.s32 $0xFFFFC000  }
0x1a6: {  	[hbm4b:s11+s3] =	stream.linear.scatter [tilespmem:s9], [sflag:$0xA], $0x4000, $0x38;
	[tilespmem:$0x18100] =	vst v63  }
0x1a7: {  	_ =	swait.ge [sflag:s30], $0x4000  }
0x1a8: {  	[sflag:s30] =	ssyncset.done $0x0  }
0x1a9: {  	[sflag:s30] =	ssyncadd.s32 $0xFFFFC000  }
0x1aa: {  	v3 =	vld [tilespmem:$0xF0];
	_ =	sdelay $0x4  }
0x1ab: {  	v63 =	vshll.u32 v3, $0x3  }
0x1ac: {  	v3 =	vand.u32 $0x7, v3;
	v4 =	vand.u32 $0xFFFFFFC0, v63  }
0x1ad: {  	v3 =	vor.u32 v3, v4  }
0x1ae: {  	v4 =	vperm.xlane v3, v0;
	_ =	sdelay $0x1  }
0x1af: {  	v4 =	vadd.s32 v1, v4;
	_ =	sdelay $0x4  }
0x1b0: {  	[tilespmem:s9], [sflag:$0x4] =	stream.indirect_vreg.gather [hbm4b:s2+s3], $0x80, v4, vm0, $0xb8;
	[tilespmem:$0x18100] =	vst v63  }
0x1b1: {  	s11 =	simm.s32 $0xC900;
	v3 =	vperm.xlane v3, v2  }
0x1b2: {  	[tilespmem:s11], [sflag:$0x4] =	stream.indirect_vreg.gather [hbm4b:s5+s3], $0x80, v4, vm0, $0xb8;
	[tilespmem:$0x18100] =	vst v63  }
0x1b3: {  	v3 =	vadd.s32 v1, v3;
	s11 =	simm.s32 $0xD100  }
0x1b4: {  	[tilespmem:s11], [sflag:$0x4] =	stream.indirect_vreg.gather [hbm4b:s6+s3], $0x80, v4, vm0, $0xb8;
	[tilespmem:$0x18100] =	vst v63  }
0x1b5: {  	s11 =	simm.s32 $0xD900  }
0x1b6: {  	[tilespmem:s11], [sflag:$0x4] =	stream.indirect_vreg.gather [hbm4b:s7+s3], $0x80, v4, vm0, $0xb8;
	[tilespmem:$0x18100] =	vst v63  }
0x1b7: {  	s11 =	simm.s32 $0xE100  }
0x1b8: {  	[tilespmem:s11], [sflag:$0x4] =	stream.indirect_vreg.gather [hbm4b:s2+s3], $0x80, v3, vm0, $0xb8;
	[tilespmem:$0x18100] =	vst v63  }
0x1b9: {  	s11 =	simm.s32 $0xE900  }
0x1ba: {  	[tilespmem:s11], [sflag:$0x4] =	stream.indirect_vreg.gather [hbm4b:s5+s3], $0x80, v3, vm0, $0xb8;
	[tilespmem:$0x18100] =	vst v63  }
0x1bb: {  	s11 =	simm.s32 $0xF100  }
0x1bc: {  	[tilespmem:s11], [sflag:$0x4] =	stream.indirect_vreg.gather [hbm4b:s6+s3], $0x80, v3, vm0, $0xb8;
	[tilespmem:$0x18100] =	vst v63  }
0x1bd: {  	s11 =	simm.s32 $0xF900  }
0x1be: {  	[tilespmem:s11], [sflag:$0x4] =	stream.indirect_vreg.gather [hbm4b:s7+s3], $0x80, v3, vm0, $0xb8;
	[tilespmem:$0x18100] =	vst v63  }
0x1bf: {  	_ =	swait.ge [sflag:s0], $0x4000  }
0x1c0: {  	[sflag:s0] =	ssyncset.done $0x0  }
0x1c1: {  	s21 =	simm.s32 $0x10100;
	s11 =	rddreg [dreg:$0xe];
	[sflag:s0] =	ssyncadd.s32 $0xFFFFC000  }
0x1c2: {  	[hbm4b:s11+s3] =	stream.linear.scatter [tilespmem:s21], [sflag:$0xB], $0x4000, $0x38;
	[tilespmem:$0x18100] =	vst v63  }
0x1c3: {  	_ =	swait.ge [sflag:s10], $0x4000  }
0x1c4: {  	[sflag:s10] =	ssyncset.done $0x0  }
0x1c5: {  	s13 =	simm.s32 $0x14100;
	s21 =	rddreg [dreg:$0xf];
	[sflag:s10] =	ssyncadd.s32 $0xFFFFC000  }
0x1c6: {  	[hbm4b:s21+s3] =	stream.linear.scatter [tilespmem:s13], [sflag:$0xC], $0x4000, $0x38;
	[tilespmem:$0x18100] =	vst v63  }
0x1c7: {  	_ =	swait.ge [sflag:s16], $0x4000  }
0x1c8: {  	[sflag:s16] =	ssyncset.done $0x0  }
0x1c9: {  	s0 =	rddreg [dreg:$0x10];
	[sflag:s16] =	ssyncadd.s32 $0xFFFFC000  }
0x1ca: {  	[hbm4b:s0+s3] =	stream.linear.scatter [tilespmem:s18], [sflag:$0x7], $0x4000, $0x38;
	[tilespmem:$0x18100] =	vst v63  }
0x1cb: {  	_ =	swait.ge [sflag:s23], $0x4000  }
0x1cc: {  	[sflag:s23] =	ssyncset.done $0x0  }
0x1cd: {  	s10 =	rddreg [dreg:$0x11];
	[sflag:s23] =	ssyncadd.s32 $0xFFFFC000  }
0x1ce: {  	[hbm4b:s10+s3] =	stream.linear.scatter [tilespmem:s26], [sflag:$0x8], $0x4000, $0x38;
	[tilespmem:$0x18100] =	vst v63  }
0x1cf: {  	_ =	swait.ge [sflag:s25], $0x4000  }
0x1d0: {  	[sflag:s25] =	ssyncset.done $0x0  }
0x1d1: {  	s13 =	rddreg [dreg:$0x12];
	[sflag:s25] =	ssyncadd.s32 $0xFFFFC000  }
0x1d2: {  	[hbm4b:s13+s3] =	stream.linear.scatter [tilespmem:s4], [sflag:$0x9], $0x4000, $0x38;
	[tilespmem:$0x18100] =	vst v63  }
0x1d3: {  	_ =	swait.ge [sflag:s29], $0x4000  }
0x1d4: {  	[sflag:s29] =	ssyncset.done $0x0  }
0x1d5: {  	s21 =	rddreg [dreg:$0x13];
	[sflag:s29] =	ssyncadd.s32 $0xFFFFC000  }
0x1d6: {  	[hbm4b:s21+s3] =	stream.linear.scatter [tilespmem:s9], [sflag:$0xA], $0x4000, $0x38;
	[tilespmem:$0x18100] =	vst v63  }
0x1d7: {  	_ =	swait.ge [sflag:s1], $0x4000  }
0x1d8: {  	[sflag:s1] =	ssyncset.done $0x0  }
0x1d9: {  	[sflag:s1] =	ssyncadd.s32 $0xFFFFC000  }
0x1da: {  	_ =	swait.ge [sflag:s12], $0x4000  }
0x1db: {  	[sflag:s12] =	ssyncset.done $0x0  }
0x1dc: {  	[sflag:s12] =	ssyncadd.s32 $0xFFFFC000  }
0x1dd: {  	_ =	swait.ge [sflag:s22], $0x4000  }
0x1de: {  	[sflag:s22] =	ssyncset.done $0x0  }
0x1df: {  	[sflag:s22] =	ssyncadd.s32 $0xFFFFC000  }
0x1e0: {  	_ =	swait.ge [sflag:s24], $0x4000  }
0x1e1: {  	[sflag:s24] =	ssyncset.done $0x0  }
0x1e2: {  	[sflag:s24] =	ssyncadd.s32 $0xFFFFC000  }
0x1e3: {  	p0 =	sne.s32 s8, $0x1;
	_ =	swait.ge [sflag:s28], $0x4000  }
.Ltmp0:
0x1e4: {  	[sflag:s28] =	ssyncset.done $0x0;
	(pc) =	sbr.rel @p0 .LBB2_1-.Ltmp0, $4  }
0x1e5: {  	[sflag:s28] =	ssyncadd.s32 $0xFFFFC000  }
0x1e6: {  	_ =	swait.ge [sflag:s30], $0x4000  }
0x1e7: {  	[sflag:s30] =	ssyncset.done $0x0  }
0x1e8: {  	s8 =	sadd.s32 $0xFFFFFFFF, s8;
	[sflag:s30] =	ssyncadd.s32 $0xFFFFC000  }
0x1e9: {  	_ =	sfence.sel $0x180000  }
0x1ea: {  	[bflag:$0x0] =	sbarrier.arrive $0xFFFF  }
0x1eb: {  	_ =	strace $0x90000047  }
0x1ec: {  	s0 =	stileid.u32;
	[bflag:$0x2] =	sbarrier.arrive $0xFFFF  }
0x1ed: {  	p0 =	sne.s32 s0, $0x0;
	s0 =	rddreg [dreg:$0x3]  }
0x1ee: {  	s0 =	sadd.s32 @!p0 $0x100000, s0  }
0x1ef: {  	[sflag:s0] =	ssyncadd.tile.s32 @!p0 $0x1;
	_ =	shalt  }
.Lfunc_end2:
_tile_overlayer_lowered:
.L_overlay_start_2:
0x1f0: {  	(tag) =	ssettag $0x2  }
0x1f1: {  	s0 =	rddreg [dreg:$0x0];
	s2 =	stileid.u32  }
0x1f2: {  	s1 =	rddreg [dreg:$0x1];
	p0 =	sne.s32 s2, $0x0  }
0x1f3: {  	s3 =	rddreg [dreg:$0x2];
	[bflag:$0x3] =	sbarrier.arrive $0xFFFF;
	s2 =	simm.s32 @!p0 $0x1C0D  }
0x1f4: {  	[timem:s3], [sflag:s2] =	dma.local @!p0 [hbm:s0], s1  }
0x1f5: {  	s0 =	simm.s32 @!p0 $0xD  }
0x1f6: {  	_ =	swait.ge @!p0 [sflag:s0], s1  }
0x1f7: {  	s1 =	ssub.s32 @!p0 $0x0, s1;
	[sflag:s0] =	ssyncset.done @!p0 $0x0  }
0x1f8: {  	[sflag:s0] =	ssyncadd.s32 @!p0 s1  }
0x1f9: {  	[bflag:$0x3] =	sbarrier.arrive $0xFFFF  }
0x1fa: {  	_ =	shalt  }

</sc_bundles>
